<compile_context>
chip_gen: v7x
topology: tpu7x:2x2x1
jax: 0.10.2.dev20260603
libtpu: 0.0.44.dev20260713+nightly
codegen_flags: <defaults>
</compile_context>

<pallas_src>
import functools

import jax
import jax.numpy as jnp
from jax import lax
from jax.experimental import pallas as pl
from jax.experimental.pallas import tpu as pltpu
from jax.experimental.pallas import tpu_sc as plsc

_V = 1000000
_D = 64
_L = 20
_NC = 2
_NS = 16
_NW = _NC * _NS

_B, _H, _W = 1024, 5, 4
_N_CELLS = _B * _H * _W
_IPR = 128
_IDX_ROWS = _N_CELLS * _L // _IPR
_RPC = 5
_CELLS_PC = _RPC * _IPR // _L
_RPW = _IDX_ROWS // _NW
_NCH = _RPW // _RPC

_TCOLS = 6400


def _tc_repack(tt_ref, o_ref, at_ref):
    at_ref[:] = tt_ref[:].T
    o_ref[:] = jnp.concatenate([at_ref[0::2, :], at_ref[1::2, :]], axis=1)


def _sc_pool(idx_hbm, table_hbm, out_hbm, idx_v, rows_v, out_v, sem):
    wid = lax.axis_index("s") * _NC + lax.axis_index("c")
    row_base = wid * _RPW
    cell_base = wid * (_RPW * _IPR // _L)

    def chunk(k, carry):
        r0 = row_base + k * _RPC
        pltpu.sync_copy(idx_hbm.at[pl.ds(r0, _RPC)], idx_v)
        copies = []
        for j in range(_RPC):
            copies.append(
                pltpu.async_copy(
                    table_hbm.at[idx_v.at[j]],
                    rows_v.at[pl.ds(j * _IPR, _IPR)],
                    sem,
                )
            )
        for cp in copies:
            cp.wait()

        def cell(c, carry2):
            t0 = c * _L
            for d in range(_D // 16):
                dd = pl.ds(d * 16, 16)
                s = rows_v[t0, dd]
                for t in range(1, _L):
                    s = s + rows_v[t0 + t, dd]
                out_v[c, dd] = s
            return carry2

        lax.fori_loop(0, _CELLS_PC, cell, 0, unroll=False)
        pltpu.sync_copy(
            out_v, out_hbm.at[pl.ds(cell_base + k * _CELLS_PC, _CELLS_PC)]
        )
        return carry

    lax.fori_loop(0, _NCH, chunk, 0, unroll=False)


_sc_pool_call = functools.partial(
    pl.kernel,
    mesh=plsc.VectorSubcoreMesh(core_axis_name="c", subcore_axis_name="s"),
    out_type=jax.ShapeDtypeStruct((_N_CELLS, _D), jnp.float32),
    scratch_types=[
        pltpu.VMEM((_RPC, _IPR), jnp.int32),
        pltpu.VMEM((_RPC * _IPR, _D), jnp.float32),
        pltpu.VMEM((_CELLS_PC, _D), jnp.float32),
        pltpu.SemaphoreType.DMA,
    ],
    compiler_params=pltpu.CompilerParams(use_tc_tiling_on_sc=False),
)(_sc_pool)


_SQRT1_2 = 0.7071067811865476


def _tc_head(sums_ref, wp_ref, bp_ref, o_ref):
    h = sums_ref[:] * (1.0 / _L)
    g = 0.5 * h * (1.0 + lax.erf(h * _SQRT1_2))
    w = wp_ref[0, :]
    o_ref[:] = jnp.sum(g * w[None, :], axis=1, keepdims=True) + bp_ref[0]


def kernel(x, table, Wp, bp):
    packed = pl.pallas_call(
        _tc_repack,
        grid=(pl.cdiv(_V, _TCOLS),),
        in_specs=[pl.BlockSpec((_D, _TCOLS), lambda i: (0, i))],
        out_specs=pl.BlockSpec((_TCOLS // 2, 2 * _D), lambda i: (i, 0)),
        out_shape=jax.ShapeDtypeStruct((_V // 2, 2 * _D), jnp.float32),
        scratch_shapes=[pltpu.VMEM((_TCOLS, _D), jnp.float32)],
    )(table.T)
    table_lin = packed.reshape(_V, _D)
    idx = x.reshape(_IDX_ROWS, _IPR).astype(jnp.int32)
    sums = _sc_pool_call(idx, table_lin)
    out = pl.pallas_call(
        _tc_head,
        grid=(_N_CELLS // 1024,),
        in_specs=[
            pl.BlockSpec((1024, _D), lambda i: (i, 0)),
            pl.BlockSpec((1, _D), lambda i: (0, 0)),
            pl.BlockSpec(memory_space=pltpu.SMEM),
        ],
        out_specs=pl.BlockSpec((1024, 1), lambda i: (i, 0)),
        out_shape=jax.ShapeDtypeStruct((_N_CELLS, 1), jnp.float32),
    )(sums, Wp, bp)
    return out.reshape(_B, _H, _W)

# --- scband reference (transcript-rebuilt; emitter-appended) ---
"""Pipeline reference for scband-gelu-avg-embed-87823491269195 (READ-ONLY COPY).

The authoritative reference and input builder live on the scoring server;
editing this copy changes nothing except your own understanding.
"""

import jax, jax.numpy as jnp
import numpy as np

VOCAB = 1000000
EMBED_DIM = 64
B, H, W_CELLS, L = 1024, 5, 4, 20


def setup_inputs(seed: int = 0) -> dict:
    key = jax.random.key(seed)
    k1, k2, k3 = jax.random.split(key, 3)
    x = jax.random.randint(k1, (B, H, W_CELLS, L), 0, VOCAB)
    table = jax.random.normal(k2, (VOCAB, EMBED_DIM), dtype=jnp.float32) * 0.02
    Wp = jax.random.normal(k3, (1, EMBED_DIM), dtype=jnp.float32) * 0.1
    bp = jnp.zeros((1,), dtype=jnp.float32)
    return {"x": x, "table": table, "Wp": Wp, "bp": bp}


def reference(x, table, Wp, bp):
    # embed lookup for every cell: [B, H, W, L, D]
    emb = jnp.take(table, x, axis=0)
    # mean over the L token indices per cell: [B, H, W, D]
    h = emb.mean(axis=3)
    # dropout is identity in eval mode
    h = jax.nn.gelu(h, approximate=False)
    # linear pred to scalar per cell: [B, H, W]
    out = h @ Wp.T + bp
    return out[..., 0]

if __name__ == "__main__":
    import jax
    _d = setup_inputs()
    print(jax.jit(kernel)(*tuple(_d.values())))

</pallas_src>

<mosaic_0001>
#map = affine_map<(d0, d1) -> (0, 0)>
module attributes {stable_mosaic.version = 14 : i64} {
  func.func @_sc_pool(%arg0: i32, %arg1: i32, %arg2: memref<3200x128xi32, #tpu.memory_space<hbm>>, %arg3: memref<1000000x64xf32, #tpu.memory_space<hbm>>, %arg4: memref<20480x64xf32, #tpu.memory_space<hbm>>, %arg5: memref<5x128xi32, #tpu.memory_space<vmem>>, %arg6: memref<640x64xf32, #tpu.memory_space<vmem>>, %arg7: memref<32x64xf32, #tpu.memory_space<vmem>>, %arg8: memref<!tpu.dma_semaphore, #tpu.memory_space<semaphore_mem>>) attributes {dimension_semantics = [#tpu.dimension_semantics<core_parallel>, #tpu.dimension_semantics<subcore_parallel>], iteration_bounds = array<i64: 2, 16>, scalar_prefetch = 0 : i64, scratch_operands = 4 : i64, tpu.core_type = #tpu.core_type<sc_vector_subcore>, window_params = [{transform_indices = #map}, {transform_indices = #map}, {transform_indices = #map}]} {
    %mul3A = arith.constant 2 : i32
    %mul3A_0 = arith.muli %arg1, %mul3A : i32
    %add3A = arith.addi %mul3A_0, %arg0 : i32
    %mul3A_1 = arith.constant 100 : i32
    %mul3A_2 = arith.muli %add3A, %mul3A_1 : i32
    %mul3A_3 = arith.constant 640 : i32
    %mul3A_4 = arith.muli %add3A, %mul3A_3 : i32
    %scan3A = arith.constant 0 : i32
    %scan3A_5 = arith.constant 0 : i32
    %scan3A_6 = arith.constant 20 : i32
    %scan3A_7 = arith.addi %scan3A_5, %scan3A_6 : i32
    %scan3A_8 = arith.constant 1 : i32
    scf.for %scan3A_10 = %scan3A_5 to %scan3A_7 step %scan3A_8  : i32 {
      %mul3A_11 = arith.constant 5 : i32
      %mul3A_12 = arith.muli %scan3A_10, %mul3A_11 : i32
      %add3A_13 = arith.addi %mul3A_2, %mul3A_12 : i32
      "tpu.region"() ({
        %run_scoped3A = tpu.sem_alloc : memref<!tpu.dma_semaphore, #tpu.memory_space<semaphore_mem>>
        %dma_start3A_121 = arith.constant 0 : i32
        %dma_start3A_122 = tpu.memref_slice %arg2[%add3A_13, %dma_start3A_121] : memref<3200x128xi32, #tpu.memory_space<hbm>> -> memref<5x128xi32, #tpu.memory_space<hbm>>
        %dma_start3A_123 = arith.constant 0 : i32
        %dma_start3A_124 = tpu.memref_slice %arg2[%add3A_13, %dma_start3A_123] : memref<3200x128xi32, #tpu.memory_space<hbm>> -> memref<5x128xi32, #tpu.memory_space<hbm>>
        tpu.enqueue_dma source(%dma_start3A_124 : memref<5x128xi32, #tpu.memory_space<hbm>>) target(%arg5 : memref<5x128xi32, #tpu.memory_space<vmem>>) target_semaphore(%run_scoped3A : memref<!tpu.dma_semaphore, #tpu.memory_space<semaphore_mem>>)
        %dma_wait3A_125 = arith.constant 0 : i32
        %dma_wait3A_126 = tpu.memref_slice %arg2[%add3A_13, %dma_wait3A_125] : memref<3200x128xi32, #tpu.memory_space<hbm>> -> memref<5x128xi32, #tpu.memory_space<hbm>>
        %dma_wait3A_127 = arith.constant 0 : i32
        %dma_wait3A_128 = tpu.memref_slice %arg2[%add3A_13, %dma_wait3A_127] : memref<3200x128xi32, #tpu.memory_space<hbm>> -> memref<5x128xi32, #tpu.memory_space<hbm>>
        tpu.wait_dma2 semaphore(%run_scoped3A : memref<!tpu.dma_semaphore, #tpu.memory_space<semaphore_mem>>) src(%dma_wait3A_128 : memref<5x128xi32, #tpu.memory_space<hbm>>) dst(%arg5 : memref<5x128xi32, #tpu.memory_space<vmem>>)
        tpu.yield
      }) : () -> ()
      %dma_start3A = arith.constant 0 : i32
      %dma_start3A_14 = arith.constant 0 : i32
      %dma_start3A_15 = arith.constant 0 : i32
      %dma_start3A_16 = tpu.memref_slice %arg6[%dma_start3A_14, %dma_start3A_15] : memref<640x64xf32, #tpu.memory_space<vmem>> -> memref<128x64xf32, #tpu.memory_space<vmem>>
      %dma_start3A_17 = arith.constant 0 : i32
      %dma_start3A_18 = tpu.memref_slice %arg5[%dma_start3A, %dma_start3A_17] : memref<5x128xi32, #tpu.memory_space<vmem>> -> memref<1x128xi32, #tpu.memory_space<vmem>>
      %dma_start3A_19 = tpu.memref_squeeze %dma_start3A_18 : memref<1x128xi32, #tpu.memory_space<vmem>> -> memref<128xi32, #tpu.memory_space<vmem>>
      %dma_start3A_20 = arith.constant 0 : i32
      %dma_start3A_21 = arith.constant 0 : i32
      %dma_start3A_22 = tpu.memref_slice %arg3[%dma_start3A_20, %dma_start3A_21] : memref<1000000x64xf32, #tpu.memory_space<hbm>> -> memref<1000000x64xf32, #tpu.memory_space<hbm>>
      tpu.enqueue_indirect_dma source(%dma_start3A_22 : memref<1000000x64xf32, #tpu.memory_space<hbm>>) target(%dma_start3A_16 : memref<128x64xf32, #tpu.memory_space<vmem>>) offsets(%dma_start3A_19 : memref<128xi32, #tpu.memory_space<vmem>>) semaphore(%arg8 : memref<!tpu.dma_semaphore, #tpu.memory_space<semaphore_mem>>)
      %dma_start3A_23 = arith.constant 1 : i32
      %dma_start3A_24 = arith.constant 128 : i32
      %dma_start3A_25 = arith.constant 0 : i32
      %dma_start3A_26 = tpu.memref_slice %arg6[%dma_start3A_24, %dma_start3A_25] : memref<640x64xf32, #tpu.memory_space<vmem>> -> memref<128x64xf32, #tpu.memory_space<vmem>>
      %dma_start3A_27 = arith.constant 0 : i32
      %dma_start3A_28 = tpu.memref_slice %arg5[%dma_start3A_23, %dma_start3A_27] : memref<5x128xi32, #tpu.memory_space<vmem>> -> memref<1x128xi32, #tpu.memory_space<vmem>>
      %dma_start3A_29 = tpu.memref_squeeze %dma_start3A_28 : memref<1x128xi32, #tpu.memory_space<vmem>> -> memref<128xi32, #tpu.memory_space<vmem>>
      %dma_start3A_30 = arith.constant 0 : i32
      %dma_start3A_31 = arith.constant 0 : i32
      %dma_start3A_32 = tpu.memref_slice %arg3[%dma_start3A_30, %dma_start3A_31] : memref<1000000x64xf32, #tpu.memory_space<hbm>> -> memref<1000000x64xf32, #tpu.memory_space<hbm>>
      tpu.enqueue_indirect_dma source(%dma_start3A_32 : memref<1000000x64xf32, #tpu.memory_space<hbm>>) target(%dma_start3A_26 : memref<128x64xf32, #tpu.memory_space<vmem>>) offsets(%dma_start3A_29 : memref<128xi32, #tpu.memory_space<vmem>>) semaphore(%arg8 : memref<!tpu.dma_semaphore, #tpu.memory_space<semaphore_mem>>)
      %dma_start3A_33 = arith.constant 2 : i32
      %dma_start3A_34 = arith.constant 256 : i32
      %dma_start3A_35 = arith.constant 0 : i32
      %dma_start3A_36 = tpu.memref_slice %arg6[%dma_start3A_34, %dma_start3A_35] : memref<640x64xf32, #tpu.memory_space<vmem>> -> memref<128x64xf32, #tpu.memory_space<vmem>>
      %dma_start3A_37 = arith.constant 0 : i32
      %dma_start3A_38 = tpu.memref_slice %arg5[%dma_start3A_33, %dma_start3A_37] : memref<5x128xi32, #tpu.memory_space<vmem>> -> memref<1x128xi32, #tpu.memory_space<vmem>>
      %dma_start3A_39 = tpu.memref_squeeze %dma_start3A_38 : memref<1x128xi32, #tpu.memory_space<vmem>> -> memref<128xi32, #tpu.memory_space<vmem>>
      %dma_start3A_40 = arith.constant 0 : i32
      %dma_start3A_41 = arith.constant 0 : i32
      %dma_start3A_42 = tpu.memref_slice %arg3[%dma_start3A_40, %dma_start3A_41] : memref<1000000x64xf32, #tpu.memory_space<hbm>> -> memref<1000000x64xf32, #tpu.memory_space<hbm>>
      tpu.enqueue_indirect_dma source(%dma_start3A_42 : memref<1000000x64xf32, #tpu.memory_space<hbm>>) target(%dma_start3A_36 : memref<128x64xf32, #tpu.memory_space<vmem>>) offsets(%dma_start3A_39 : memref<128xi32, #tpu.memory_space<vmem>>) semaphore(%arg8 : memref<!tpu.dma_semaphore, #tpu.memory_space<semaphore_mem>>)
      %dma_start3A_43 = arith.constant 3 : i32
      %dma_start3A_44 = arith.constant 384 : i32
      %dma_start3A_45 = arith.constant 0 : i32
      %dma_start3A_46 = tpu.memref_slice %arg6[%dma_start3A_44, %dma_start3A_45] : memref<640x64xf32, #tpu.memory_space<vmem>> -> memref<128x64xf32, #tpu.memory_space<vmem>>
      %dma_start3A_47 = arith.constant 0 : i32
      %dma_start3A_48 = tpu.memref_slice %arg5[%dma_start3A_43, %dma_start3A_47] : memref<5x128xi32, #tpu.memory_space<vmem>> -> memref<1x128xi32, #tpu.memory_space<vmem>>
      %dma_start3A_49 = tpu.memref_squeeze %dma_start3A_48 : memref<1x128xi32, #tpu.memory_space<vmem>> -> memref<128xi32, #tpu.memory_space<vmem>>
      %dma_start3A_50 = arith.constant 0 : i32
      %dma_start3A_51 = arith.constant 0 : i32
      %dma_start3A_52 = tpu.memref_slice %arg3[%dma_start3A_50, %dma_start3A_51] : memref<1000000x64xf32, #tpu.memory_space<hbm>> -> memref<1000000x64xf32, #tpu.memory_space<hbm>>
      tpu.enqueue_indirect_dma source(%dma_start3A_52 : memref<1000000x64xf32, #tpu.memory_space<hbm>>) target(%dma_start3A_46 : memref<128x64xf32, #tpu.memory_space<vmem>>) offsets(%dma_start3A_49 : memref<128xi32, #tpu.memory_space<vmem>>) semaphore(%arg8 : memref<!tpu.dma_semaphore, #tpu.memory_space<semaphore_mem>>)
      %dma_start3A_53 = arith.constant 4 : i32
      %dma_start3A_54 = arith.constant 512 : i32
      %dma_start3A_55 = arith.constant 0 : i32
      %dma_start3A_56 = tpu.memref_slice %arg6[%dma_start3A_54, %dma_start3A_55] : memref<640x64xf32, #tpu.memory_space<vmem>> -> memref<128x64xf32, #tpu.memory_space<vmem>>
      %dma_start3A_57 = arith.constant 0 : i32
      %dma_start3A_58 = tpu.memref_slice %arg5[%dma_start3A_53, %dma_start3A_57] : memref<5x128xi32, #tpu.memory_space<vmem>> -> memref<1x128xi32, #tpu.memory_space<vmem>>
      %dma_start3A_59 = tpu.memref_squeeze %dma_start3A_58 : memref<1x128xi32, #tpu.memory_space<vmem>> -> memref<128xi32, #tpu.memory_space<vmem>>
      %dma_start3A_60 = arith.constant 0 : i32
      %dma_start3A_61 = arith.constant 0 : i32
      %dma_start3A_62 = tpu.memref_slice %arg3[%dma_start3A_60, %dma_start3A_61] : memref<1000000x64xf32, #tpu.memory_space<hbm>> -> memref<1000000x64xf32, #tpu.memory_space<hbm>>
      tpu.enqueue_indirect_dma source(%dma_start3A_62 : memref<1000000x64xf32, #tpu.memory_space<hbm>>) target(%dma_start3A_56 : memref<128x64xf32, #tpu.memory_space<vmem>>) offsets(%dma_start3A_59 : memref<128xi32, #tpu.memory_space<vmem>>) semaphore(%arg8 : memref<!tpu.dma_semaphore, #tpu.memory_space<semaphore_mem>>)
      %dma_wait3A = arith.constant 0 : i32
      %dma_wait3A_63 = arith.constant 0 : i32
      %dma_wait3A_64 = arith.constant 0 : i32
      %dma_wait3A_65 = tpu.memref_slice %arg6[%dma_wait3A_63, %dma_wait3A_64] : memref<640x64xf32, #tpu.memory_space<vmem>> -> memref<128x64xf32, #tpu.memory_space<vmem>>
      %dma_wait3A_66 = arith.constant 0 : i32
      %dma_wait3A_67 = tpu.memref_slice %arg5[%dma_wait3A, %dma_wait3A_66] : memref<5x128xi32, #tpu.memory_space<vmem>> -> memref<1x128xi32, #tpu.memory_space<vmem>>
      %dma_wait3A_68 = tpu.memref_squeeze %dma_wait3A_67 : memref<1x128xi32, #tpu.memory_space<vmem>> -> memref<128xi32, #tpu.memory_space<vmem>>
      %dma_wait3A_69 = arith.constant 0 : i32
      %dma_wait3A_70 = arith.constant 0 : i32
      %dma_wait3A_71 = tpu.memref_slice %arg3[%dma_wait3A_69, %dma_wait3A_70] : memref<1000000x64xf32, #tpu.memory_space<hbm>> -> memref<1000000x64xf32, #tpu.memory_space<hbm>>
      tpu.wait_indirect_dma semaphore(%arg8 : memref<!tpu.dma_semaphore, #tpu.memory_space<semaphore_mem>>) src(%dma_wait3A_71 : memref<1000000x64xf32, #tpu.memory_space<hbm>>) dst(%dma_wait3A_65 : memref<128x64xf32, #tpu.memory_space<vmem>>)
      %dma_wait3A_72 = arith.constant 1 : i32
      %dma_wait3A_73 = arith.constant 128 : i32
      %dma_wait3A_74 = arith.constant 0 : i32
      %dma_wait3A_75 = tpu.memref_slice %arg6[%dma_wait3A_73, %dma_wait3A_74] : memref<640x64xf32, #tpu.memory_space<vmem>> -> memref<128x64xf32, #tpu.memory_space<vmem>>
      %dma_wait3A_76 = arith.constant 0 : i32
      %dma_wait3A_77 = tpu.memref_slice %arg5[%dma_wait3A_72, %dma_wait3A_76] : memref<5x128xi32, #tpu.memory_space<vmem>> -> memref<1x128xi32, #tpu.memory_space<vmem>>
      %dma_wait3A_78 = tpu.memref_squeeze %dma_wait3A_77 : memref<1x128xi32, #tpu.memory_space<vmem>> -> memref<128xi32, #tpu.memory_space<vmem>>
      %dma_wait3A_79 = arith.constant 0 : i32
      %dma_wait3A_80 = arith.constant 0 : i32
      %dma_wait3A_81 = tpu.memref_slice %arg3[%dma_wait3A_79, %dma_wait3A_80] : memref<1000000x64xf32, #tpu.memory_space<hbm>> -> memref<1000000x64xf32, #tpu.memory_space<hbm>>
      tpu.wait_indirect_dma semaphore(%arg8 : memref<!tpu.dma_semaphore, #tpu.memory_space<semaphore_mem>>) src(%dma_wait3A_81 : memref<1000000x64xf32, #tpu.memory_space<hbm>>) dst(%dma_wait3A_75 : memref<128x64xf32, #tpu.memory_space<vmem>>)
      %dma_wait3A_82 = arith.constant 2 : i32
      %dma_wait3A_83 = arith.constant 256 : i32
      %dma_wait3A_84 = arith.constant 0 : i32
      %dma_wait3A_85 = tpu.memref_slice %arg6[%dma_wait3A_83, %dma_wait3A_84] : memref<640x64xf32, #tpu.memory_space<vmem>> -> memref<128x64xf32, #tpu.memory_space<vmem>>
      %dma_wait3A_86 = arith.constant 0 : i32
      %dma_wait3A_87 = tpu.memref_slice %arg5[%dma_wait3A_82, %dma_wait3A_86] : memref<5x128xi32, #tpu.memory_space<vmem>> -> memref<1x128xi32, #tpu.memory_space<vmem>>
      %dma_wait3A_88 = tpu.memref_squeeze %dma_wait3A_87 : memref<1x128xi32, #tpu.memory_space<vmem>> -> memref<128xi32, #tpu.memory_space<vmem>>
      %dma_wait3A_89 = arith.constant 0 : i32
      %dma_wait3A_90 = arith.constant 0 : i32
      %dma_wait3A_91 = tpu.memref_slice %arg3[%dma_wait3A_89, %dma_wait3A_90] : memref<1000000x64xf32, #tpu.memory_space<hbm>> -> memref<1000000x64xf32, #tpu.memory_space<hbm>>
      tpu.wait_indirect_dma semaphore(%arg8 : memref<!tpu.dma_semaphore, #tpu.memory_space<semaphore_mem>>) src(%dma_wait3A_91 : memref<1000000x64xf32, #tpu.memory_space<hbm>>) dst(%dma_wait3A_85 : memref<128x64xf32, #tpu.memory_space<vmem>>)
      %dma_wait3A_92 = arith.constant 3 : i32
      %dma_wait3A_93 = arith.constant 384 : i32
      %dma_wait3A_94 = arith.constant 0 : i32
      %dma_wait3A_95 = tpu.memref_slice %arg6[%dma_wait3A_93, %dma_wait3A_94] : memref<640x64xf32, #tpu.memory_space<vmem>> -> memref<128x64xf32, #tpu.memory_space<vmem>>
      %dma_wait3A_96 = arith.constant 0 : i32
      %dma_wait3A_97 = tpu.memref_slice %arg5[%dma_wait3A_92, %dma_wait3A_96] : memref<5x128xi32, #tpu.memory_space<vmem>> -> memref<1x128xi32, #tpu.memory_space<vmem>>
      %dma_wait3A_98 = tpu.memref_squeeze %dma_wait3A_97 : memref<1x128xi32, #tpu.memory_space<vmem>> -> memref<128xi32, #tpu.memory_space<vmem>>
      %dma_wait3A_99 = arith.constant 0 : i32
      %dma_wait3A_100 = arith.constant 0 : i32
      %dma_wait3A_101 = tpu.memref_slice %arg3[%dma_wait3A_99, %dma_wait3A_100] : memref<1000000x64xf32, #tpu.memory_space<hbm>> -> memref<1000000x64xf32, #tpu.memory_space<hbm>>
      tpu.wait_indirect_dma semaphore(%arg8 : memref<!tpu.dma_semaphore, #tpu.memory_space<semaphore_mem>>) src(%dma_wait3A_101 : memref<1000000x64xf32, #tpu.memory_space<hbm>>) dst(%dma_wait3A_95 : memref<128x64xf32, #tpu.memory_space<vmem>>)
      %dma_wait3A_102 = arith.constant 4 : i32
      %dma_wait3A_103 = arith.constant 512 : i32
      %dma_wait3A_104 = arith.constant 0 : i32
      %dma_wait3A_105 = tpu.memref_slice %arg6[%dma_wait3A_103, %dma_wait3A_104] : memref<640x64xf32, #tpu.memory_space<vmem>> -> memref<128x64xf32, #tpu.memory_space<vmem>>
      %dma_wait3A_106 = arith.constant 0 : i32
      %dma_wait3A_107 = tpu.memref_slice %arg5[%dma_wait3A_102, %dma_wait3A_106] : memref<5x128xi32, #tpu.memory_space<vmem>> -> memref<1x128xi32, #tpu.memory_space<vmem>>
      %dma_wait3A_108 = tpu.memref_squeeze %dma_wait3A_107 : memref<1x128xi32, #tpu.memory_space<vmem>> -> memref<128xi32, #tpu.memory_space<vmem>>
      %dma_wait3A_109 = arith.constant 0 : i32
      %dma_wait3A_110 = arith.constant 0 : i32
      %dma_wait3A_111 = tpu.memref_slice %arg3[%dma_wait3A_109, %dma_wait3A_110] : memref<1000000x64xf32, #tpu.memory_space<hbm>> -> memref<1000000x64xf32, #tpu.memory_space<hbm>>
      tpu.wait_indirect_dma semaphore(%arg8 : memref<!tpu.dma_semaphore, #tpu.memory_space<semaphore_mem>>) src(%dma_wait3A_111 : memref<1000000x64xf32, #tpu.memory_space<hbm>>) dst(%dma_wait3A_105 : memref<128x64xf32, #tpu.memory_space<vmem>>)
      %scan3A_112 = arith.constant 0 : i32
      %scan3A_113 = arith.constant 0 : i32
      %scan3A_114 = arith.constant 32 : i32
      %scan3A_115 = arith.addi %scan3A_113, %scan3A_114 : i32
      %scan3A_116 = arith.constant 1 : i32
      scf.for %scan3A_121 = %scan3A_113 to %scan3A_115 step %scan3A_116  : i32 {
        %mul3A_122 = arith.constant 20 : i32
        %mul3A_123 = arith.muli %scan3A_121, %mul3A_122 : i32
        %get3A = arith.index_cast %mul3A_123 : i32 to index
        %get3A_124 = arith.constant 0 : index
        %get3A_125 = tpu.vector_load %arg6[%get3A, %get3A_124] {strides = array<i32>} : memref<640x64xf32, #tpu.memory_space<vmem>>, vector<1x16xf32>,
        %get3A_126 = vector.shape_cast %get3A_125 : vector<1x16xf32> to vector<16xf32>
        %add3A_127 = arith.constant 1 : i32
        %add3A_128 = arith.addi %mul3A_123, %add3A_127 : i32
        %get3A_129 = arith.index_cast %add3A_128 : i32 to index
        %get3A_130 = arith.constant 0 : index
        %get3A_131 = tpu.vector_load %arg6[%get3A_129, %get3A_130] {strides = array<i32>} : memref<640x64xf32, #tpu.memory_space<vmem>>, vector<1x16xf32>,
        %get3A_132 = vector.shape_cast %get3A_131 : vector<1x16xf32> to vector<16xf32>
        %add3A_133 = arith.addf %get3A_126, %get3A_132 : vector<16xf32>
        %add3A_134 = arith.constant 2 : i32
        %add3A_135 = arith.addi %mul3A_123, %add3A_134 : i32
        %get3A_136 = arith.index_cast %add3A_135 : i32 to index
        %get3A_137 = arith.constant 0 : index
        %get3A_138 = tpu.vector_load %arg6[%get3A_136, %get3A_137] {strides = array<i32>} : memref<640x64xf32, #tpu.memory_space<vmem>>, vector<1x16xf32>,
        %get3A_139 = vector.shape_cast %get3A_138 : vector<1x16xf32> to vector<16xf32>
        %add3A_140 = arith.addf %add3A_133, %get3A_139 : vector<16xf32>
        %add3A_141 = arith.constant 3 : i32
        %add3A_142 = arith.addi %mul3A_123, %add3A_141 : i32
        %get3A_143 = arith.index_cast %add3A_142 : i32 to index
        %get3A_144 = arith.constant 0 : index
        %get3A_145 = tpu.vector_load %arg6[%get3A_143, %get3A_144] {strides = array<i32>} : memref<640x64xf32, #tpu.memory_space<vmem>>, vector<1x16xf32>,
        %get3A_146 = vector.shape_cast %get3A_145 : vector<1x16xf32> to vector<16xf32>
        %add3A_147 = arith.addf %add3A_140, %get3A_146 : vector<16xf32>
        %add3A_148 = arith.constant 4 : i32
        %add3A_149 = arith.addi %mul3A_123, %add3A_148 : i32
        %get3A_150 = arith.index_cast %add3A_149 : i32 to index
        %get3A_151 = arith.constant 0 : index
        %get3A_152 = tpu.vector_load %arg6[%get3A_150, %get3A_151] {strides = array<i32>} : memref<640x64xf32, #tpu.memory_space<vmem>>, vector<1x16xf32>,
        %get3A_153 = vector.shape_cast %get3A_152 : vector<1x16xf32> to vector<16xf32>
        %add3A_154 = arith.addf %add3A_147, %get3A_153 : vector<16xf32>
        %add3A_155 = arith.constant 5 : i32
        %add3A_156 = arith.addi %mul3A_123, %add3A_155 : i32
        %get3A_157 = arith.index_cast %add3A_156 : i32 to index
        %get3A_158 = arith.constant 0 : index
        %get3A_159 = tpu.vector_load %arg6[%get3A_157, %get3A_158] {strides = array<i32>} : memref<640x64xf32, #tpu.memory_space<vmem>>, vector<1x16xf32>,
        %get3A_160 = vector.shape_cast %get3A_159 : vector<1x16xf32> to vector<16xf32>
        %add3A_161 = arith.addf %add3A_154, %get3A_160 : vector<16xf32>
        %add3A_162 = arith.constant 6 : i32
        %add3A_163 = arith.addi %mul3A_123, %add3A_162 : i32
        %get3A_164 = arith.index_cast %add3A_163 : i32 to index
        %get3A_165 = arith.constant 0 : index
        %get3A_166 = tpu.vector_load %arg6[%get3A_164, %get3A_165] {strides = array<i32>} : memref<640x64xf32, #tpu.memory_space<vmem>>, vector<1x16xf32>,
        %get3A_167 = vector.shape_cast %get3A_166 : vector<1x16xf32> to vector<16xf32>
        %add3A_168 = arith.addf %add3A_161, %get3A_167 : vector<16xf32>
        %add3A_169 = arith.constant 7 : i32
        %add3A_170 = arith.addi %mul3A_123, %add3A_169 : i32
        %get3A_171 = arith.index_cast %add3A_170 : i32 to index
        %get3A_172 = arith.constant 0 : index
        %get3A_173 = tpu.vector_load %arg6[%get3A_171, %get3A_172] {strides = array<i32>} : memref<640x64xf32, #tpu.memory_space<vmem>>, vector<1x16xf32>,
        %get3A_174 = vector.shape_cast %get3A_173 : vector<1x16xf32> to vector<16xf32>
        %add3A_175 = arith.addf %add3A_168, %get3A_174 : vector<16xf32>
        %add3A_176 = arith.constant 8 : i32
        %add3A_177 = arith.addi %mul3A_123, %add3A_176 : i32
        %get3A_178 = arith.index_cast %add3A_177 : i32 to index
        %get3A_179 = arith.constant 0 : index
        %get3A_180 = tpu.vector_load %arg6[%get3A_178, %get3A_179] {strides = array<i32>} : memref<640x64xf32, #tpu.memory_space<vmem>>, vector<1x16xf32>,
        %get3A_181 = vector.shape_cast %get3A_180 : vector<1x16xf32> to vector<16xf32>
        %add3A_182 = arith.addf %add3A_175, %get3A_181 : vector<16xf32>
        %add3A_183 = arith.constant 9 : i32
        %add3A_184 = arith.addi %mul3A_123, %add3A_183 : i32
        %get3A_185 = arith.index_cast %add3A_184 : i32 to index
        %get3A_186 = arith.constant 0 : index
        %get3A_187 = tpu.vector_load %arg6[%get3A_185, %get3A_186] {strides = array<i32>} : memref<640x64xf32, #tpu.memory_space<vmem>>, vector<1x16xf32>,
        %get3A_188 = vector.shape_cast %get3A_187 : vector<1x16xf32> to vector<16xf32>
        %add3A_189 = arith.addf %add3A_182, %get3A_188 : vector<16xf32>
        %add3A_190 = arith.constant 10 : i32
        %add3A_191 = arith.addi %mul3A_123, %add3A_190 : i32
        %get3A_192 = arith.index_cast %add3A_191 : i32 to index
        %get3A_193 = arith.constant 0 : index
        %get3A_194 = tpu.vector_load %arg6[%get3A_192, %get3A_193] {strides = array<i32>} : memref<640x64xf32, #tpu.memory_space<vmem>>, vector<1x16xf32>,
        %get3A_195 = vector.shape_cast %get3A_194 : vector<1x16xf32> to vector<16xf32>
        %add3A_196 = arith.addf %add3A_189, %get3A_195 : vector<16xf32>
        %add3A_197 = arith.constant 11 : i32
        %add3A_198 = arith.addi %mul3A_123, %add3A_197 : i32
        %get3A_199 = arith.index_cast %add3A_198 : i32 to index
        %get3A_200 = arith.constant 0 : index
        %get3A_201 = tpu.vector_load %arg6[%get3A_199, %get3A_200] {strides = array<i32>} : memref<640x64xf32, #tpu.memory_space<vmem>>, vector<1x16xf32>,
        %get3A_202 = vector.shape_cast %get3A_201 : vector<1x16xf32> to vector<16xf32>
        %add3A_203 = arith.addf %add3A_196, %get3A_202 : vector<16xf32>
        %add3A_204 = arith.constant 12 : i32
        %add3A_205 = arith.addi %mul3A_123, %add3A_204 : i32
        %get3A_206 = arith.index_cast %add3A_205 : i32 to index
        %get3A_207 = arith.constant 0 : index
        %get3A_208 = tpu.vector_load %arg6[%get3A_206, %get3A_207] {strides = array<i32>} : memref<640x64xf32, #tpu.memory_space<vmem>>, vector<1x16xf32>,
        %get3A_209 = vector.shape_cast %get3A_208 : vector<1x16xf32> to vector<16xf32>
        %add3A_210 = arith.addf %add3A_203, %get3A_209 : vector<16xf32>
        %add3A_211 = arith.constant 13 : i32
        %add3A_212 = arith.addi %mul3A_123, %add3A_211 : i32
        %get3A_213 = arith.index_cast %add3A_212 : i32 to index
        %get3A_214 = arith.constant 0 : index
        %get3A_215 = tpu.vector_load %arg6[%get3A_213, %get3A_214] {strides = array<i32>} : memref<640x64xf32, #tpu.memory_space<vmem>>, vector<1x16xf32>,
        %get3A_216 = vector.shape_cast %get3A_215 : vector<1x16xf32> to vector<16xf32>
        %add3A_217 = arith.addf %add3A_210, %get3A_216 : vector<16xf32>
        %add3A_218 = arith.constant 14 : i32
        %add3A_219 = arith.addi %mul3A_123, %add3A_218 : i32
        %get3A_220 = arith.index_cast %add3A_219 : i32 to index
        %get3A_221 = arith.constant 0 : index
        %get3A_222 = tpu.vector_load %arg6[%get3A_220, %get3A_221] {strides = array<i32>} : memref<640x64xf32, #tpu.memory_space<vmem>>, vector<1x16xf32>,
        %get3A_223 = vector.shape_cast %get3A_222 : vector<1x16xf32> to vector<16xf32>
        %add3A_224 = arith.addf %add3A_217, %get3A_223 : vector<16xf32>
        %add3A_225 = arith.constant 15 : i32
        %add3A_226 = arith.addi %mul3A_123, %add3A_225 : i32
        %get3A_227 = arith.index_cast %add3A_226 : i32 to index
        %get3A_228 = arith.constant 0 : index
        %get3A_229 = tpu.vector_load %arg6[%get3A_227, %get3A_228] {strides = array<i32>} : memref<640x64xf32, #tpu.memory_space<vmem>>, vector<1x16xf32>,
        %get3A_230 = vector.shape_cast %get3A_229 : vector<1x16xf32> to vector<16xf32>
        %add3A_231 = arith.addf %add3A_224, %get3A_230 : vector<16xf32>
        %add3A_232 = arith.constant 16 : i32
        %add3A_233 = arith.addi %mul3A_123, %add3A_232 : i32
        %get3A_234 = arith.index_cast %add3A_233 : i32 to index
        %get3A_235 = arith.constant 0 : index
        %get3A_236 = tpu.vector_load %arg6[%get3A_234, %get3A_235] {strides = array<i32>} : memref<640x64xf32, #tpu.memory_space<vmem>>, vector<1x16xf32>,
        %get3A_237 = vector.shape_cast %get3A_236 : vector<1x16xf32> to vector<16xf32>
        %add3A_238 = arith.addf %add3A_231, %get3A_237 : vector<16xf32>
        %add3A_239 = arith.constant 17 : i32
        %add3A_240 = arith.addi %mul3A_123, %add3A_239 : i32
        %get3A_241 = arith.index_cast %add3A_240 : i32 to index
        %get3A_242 = arith.constant 0 : index
        %get3A_243 = tpu.vector_load %arg6[%get3A_241, %get3A_242] {strides = array<i32>} : memref<640x64xf32, #tpu.memory_space<vmem>>, vector<1x16xf32>,
        %get3A_244 = vector.shape_cast %get3A_243 : vector<1x16xf32> to vector<16xf32>
        %add3A_245 = arith.addf %add3A_238, %get3A_244 : vector<16xf32>
        %add3A_246 = arith.constant 18 : i32
        %add3A_247 = arith.addi %mul3A_123, %add3A_246 : i32
        %get3A_248 = arith.index_cast %add3A_247 : i32 to index
        %get3A_249 = arith.constant 0 : index
        %get3A_250 = tpu.vector_load %arg6[%get3A_248, %get3A_249] {strides = array<i32>} : memref<640x64xf32, #tpu.memory_space<vmem>>, vector<1x16xf32>,
        %get3A_251 = vector.shape_cast %get3A_250 : vector<1x16xf32> to vector<16xf32>
        %add3A_252 = arith.addf %add3A_245, %get3A_251 : vector<16xf32>
        %add3A_253 = arith.constant 19 : i32
        %add3A_254 = arith.addi %mul3A_123, %add3A_253 : i32
        %get3A_255 = arith.index_cast %add3A_254 : i32 to index
        %get3A_256 = arith.constant 0 : index
        %get3A_257 = tpu.vector_load %arg6[%get3A_255, %get3A_256] {strides = array<i32>} : memref<640x64xf32, #tpu.memory_space<vmem>>, vector<1x16xf32>,
        %get3A_258 = vector.shape_cast %get3A_257 : vector<1x16xf32> to vector<16xf32>
        %add3A_259 = arith.addf %add3A_252, %get3A_258 : vector<16xf32>
        %swap3A = arith.index_cast %scan3A_121 : i32 to index
        %swap3A_260 = arith.constant 0 : index
        %swap3A_261 = tpu.vector_load %arg7[%swap3A, %swap3A_260] {strides = array<i32>} : memref<32x64xf32, #tpu.memory_space<vmem>>, vector<1x16xf32>,
        %swap3A_262 = vector.shape_cast %swap3A_261 : vector<1x16xf32> to vector<16xf32>
        %swap3A_263 = vector.shape_cast %add3A_259 : vector<16xf32> to vector<1x16xf32>
        tpu.vector_store %arg7[%swap3A, %swap3A_260], %swap3A_263 {strides = array<i32>} : memref<32x64xf32, #tpu.memory_space<vmem>>, vector<1x16xf32>,
        %get3A_264 = arith.index_cast %mul3A_123 : i32 to index
        %get3A_265 = arith.constant 16 : index
        %get3A_266 = tpu.vector_load %arg6[%get3A_264, %get3A_265] {strides = array<i32>} : memref<640x64xf32, #tpu.memory_space<vmem>>, vector<1x16xf32>,
        %get3A_267 = vector.shape_cast %get3A_266 : vector<1x16xf32> to vector<16xf32>
        %add3A_268 = arith.constant 1 : i32
        %add3A_269 = arith.addi %mul3A_123, %add3A_268 : i32
        %get3A_270 = arith.index_cast %add3A_269 : i32 to index
        %get3A_271 = arith.constant 16 : index
        %get3A_272 = tpu.vector_load %arg6[%get3A_270, %get3A_271] {strides = array<i32>} : memref<640x64xf32, #tpu.memory_space<vmem>>, vector<1x16xf32>,
        %get3A_273 = vector.shape_cast %get3A_272 : vector<1x16xf32> to vector<16xf32>
        %add3A_274 = arith.addf %get3A_267, %get3A_273 : vector<16xf32>
        %add3A_275 = arith.constant 2 : i32
        %add3A_276 = arith.addi %mul3A_123, %add3A_275 : i32
        %get3A_277 = arith.index_cast %add3A_276 : i32 to index
        %get3A_278 = arith.constant 16 : index
        %get3A_279 = tpu.vector_load %arg6[%get3A_277, %get3A_278] {strides = array<i32>} : memref<640x64xf32, #tpu.memory_space<vmem>>, vector<1x16xf32>,
        %get3A_280 = vector.shape_cast %get3A_279 : vector<1x16xf32> to vector<16xf32>
        %add3A_281 = arith.addf %add3A_274, %get3A_280 : vector<16xf32>
        %add3A_282 = arith.constant 3 : i32
        %add3A_283 = arith.addi %mul3A_123, %add3A_282 : i32
        %get3A_284 = arith.index_cast %add3A_283 : i32 to index
        %get3A_285 = arith.constant 16 : index
        %get3A_286 = tpu.vector_load %arg6[%get3A_284, %get3A_285] {strides = array<i32>} : memref<640x64xf32, #tpu.memory_space<vmem>>, vector<1x16xf32>,
        %get3A_287 = vector.shape_cast %get3A_286 : vector<1x16xf32> to vector<16xf32>
        %add3A_288 = arith.addf %add3A_281, %get3A_287 : vector<16xf32>
        %add3A_289 = arith.constant 4 : i32
        %add3A_290 = arith.addi %mul3A_123, %add3A_289 : i32
        %get3A_291 = arith.index_cast %add3A_290 : i32 to index
        %get3A_292 = arith.constant 16 : index
        %get3A_293 = tpu.vector_load %arg6[%get3A_291, %get3A_292] {strides = array<i32>} : memref<640x64xf32, #tpu.memory_space<vmem>>, vector<1x16xf32>,
        %get3A_294 = vector.shape_cast %get3A_293 : vector<1x16xf32> to vector<16xf32>
        %add3A_295 = arith.addf %add3A_288, %get3A_294 : vector<16xf32>
        %add3A_296 = arith.constant 5 : i32
        %add3A_297 = arith.addi %mul3A_123, %add3A_296 : i32
        %get3A_298 = arith.index_cast %add3A_297 : i32 to index
        %get3A_299 = arith.constant 16 : index
        %get3A_300 = tpu.vector_load %arg6[%get3A_298, %get3A_299] {strides = array<i32>} : memref<640x64xf32, #tpu.memory_space<vmem>>, vector<1x16xf32>,
        %get3A_301 = vector.shape_cast %get3A_300 : vector<1x16xf32> to vector<16xf32>
        %add3A_302 = arith.addf %add3A_295, %get3A_301 : vector<16xf32>
        %add3A_303 = arith.constant 6 : i32
        %add3A_304 = arith.addi %mul3A_123, %add3A_303 : i32
        %get3A_305 = arith.index_cast %add3A_304 : i32 to index
        %get3A_306 = arith.constant 16 : index
        %get3A_307 = tpu.vector_load %arg6[%get3A_305, %get3A_306] {strides = array<i32>} : memref<640x64xf32, #tpu.memory_space<vmem>>, vector<1x16xf32>,
        %get3A_308 = vector.shape_cast %get3A_307 : vector<1x16xf32> to vector<16xf32>
        %add3A_309 = arith.addf %add3A_302, %get3A_308 : vector<16xf32>
        %add3A_310 = arith.constant 7 : i32
        %add3A_311 = arith.addi %mul3A_123, %add3A_310 : i32
        %get3A_312 = arith.index_cast %add3A_311 : i32 to index
        %get3A_313 = arith.constant 16 : index
        %get3A_314 = tpu.vector_load %arg6[%get3A_312, %get3A_313] {strides = array<i32>} : memref<640x64xf32, #tpu.memory_space<vmem>>, vector<1x16xf32>,
        %get3A_315 = vector.shape_cast %get3A_314 : vector<1x16xf32> to vector<16xf32>
        %add3A_316 = arith.addf %add3A_309, %get3A_315 : vector<16xf32>
        %add3A_317 = arith.constant 8 : i32
        %add3A_318 = arith.addi %mul3A_123, %add3A_317 : i32
        %get3A_319 = arith.index_cast %add3A_318 : i32 to index
        %get3A_320 = arith.constant 16 : index
        %get3A_321 = tpu.vector_load %arg6[%get3A_319, %get3A_320] {strides = array<i32>} : memref<640x64xf32, #tpu.memory_space<vmem>>, vector<1x16xf32>,
        %get3A_322 = vector.shape_cast %get3A_321 : vector<1x16xf32> to vector<16xf32>
        %add3A_323 = arith.addf %add3A_316, %get3A_322 : vector<16xf32>
        %add3A_324 = arith.constant 9 : i32
        %add3A_325 = arith.addi %mul3A_123, %add3A_324 : i32
        %get3A_326 = arith.index_cast %add3A_325 : i32 to index
        %get3A_327 = arith.constant 16 : index
        %get3A_328 = tpu.vector_load %arg6[%get3A_326, %get3A_327] {strides = array<i32>} : memref<640x64xf32, #tpu.memory_space<vmem>>, vector<1x16xf32>,
        %get3A_329 = vector.shape_cast %get3A_328 : vector<1x16xf32> to vector<16xf32>
        %add3A_330 = arith.addf %add3A_323, %get3A_329 : vector<16xf32>
        %add3A_331 = arith.constant 10 : i32
        %add3A_332 = arith.addi %mul3A_123, %add3A_331 : i32
        %get3A_333 = arith.index_cast %add3A_332 : i32 to index
        %get3A_334 = arith.constant 16 : index
        %get3A_335 = tpu.vector_load %arg6[%get3A_333, %get3A_334] {strides = array<i32>} : memref<640x64xf32, #tpu.memory_space<vmem>>, vector<1x16xf32>,
        %get3A_336 = vector.shape_cast %get3A_335 : vector<1x16xf32> to vector<16xf32>
        %add3A_337 = arith.addf %add3A_330, %get3A_336 : vector<16xf32>
        %add3A_338 = arith.constant 11 : i32
        %add3A_339 = arith.addi %mul3A_123, %add3A_338 : i32
        %get3A_340 = arith.index_cast %add3A_339 : i32 to index
        %get3A_341 = arith.constant 16 : index
        %get3A_342 = tpu.vector_load %arg6[%get3A_340, %get3A_341] {strides = array<i32>} : memref<640x64xf32, #tpu.memory_space<vmem>>, vector<1x16xf32>,
        %get3A_343 = vector.shape_cast %get3A_342 : vector<1x16xf32> to vector<16xf32>
        %add3A_344 = arith.addf %add3A_337, %get3A_343 : vector<16xf32>
        %add3A_345 = arith.constant 12 : i32
        %add3A_346 = arith.addi %mul3A_123, %add3A_345 : i32
        %get3A_347 = arith.index_cast %add3A_346 : i32 to index
        %get3A_348 = arith.constant 16 : index
        %get3A_349 = tpu.vector_load %arg6[%get3A_347, %get3A_348] {strides = array<i32>} : memref<640x64xf32, #tpu.memory_space<vmem>>, vector<1x16xf32>,
        %get3A_350 = vector.shape_cast %get3A_349 : vector<1x16xf32> to vector<16xf32>
        %add3A_351 = arith.addf %add3A_344, %get3A_350 : vector<16xf32>
        %add3A_352 = arith.constant 13 : i32
        %add3A_353 = arith.addi %mul3A_123, %add3A_352 : i32
        %get3A_354 = arith.index_cast %add3A_353 : i32 to index
        %get3A_355 = arith.constant 16 : index
        %get3A_356 = tpu.vector_load %arg6[%get3A_354, %get3A_355] {strides = array<i32>} : memref<640x64xf32, #tpu.memory_space<vmem>>, vector<1x16xf32>,
        %get3A_357 = vector.shape_cast %get3A_356 : vector<1x16xf32> to vector<16xf32>
        %add3A_358 = arith.addf %add3A_351, %get3A_357 : vector<16xf32>
        %add3A_359 = arith.constant 14 : i32
        %add3A_360 = arith.addi %mul3A_123, %add3A_359 : i32
        %get3A_361 = arith.index_cast %add3A_360 : i32 to index
        %get3A_362 = arith.constant 16 : index
        %get3A_363 = tpu.vector_load %arg6[%get3A_361, %get3A_362] {strides = array<i32>} : memref<640x64xf32, #tpu.memory_space<vmem>>, vector<1x16xf32>,
        %get3A_364 = vector.shape_cast %get3A_363 : vector<1x16xf32> to vector<16xf32>
        %add3A_365 = arith.addf %add3A_358, %get3A_364 : vector<16xf32>
        %add3A_366 = arith.constant 15 : i32
        %add3A_367 = arith.addi %mul3A_123, %add3A_366 : i32
        %get3A_368 = arith.index_cast %add3A_367 : i32 to index
        %get3A_369 = arith.constant 16 : index
        %get3A_370 = tpu.vector_load %arg6[%get3A_368, %get3A_369] {strides = array<i32>} : memref<640x64xf32, #tpu.memory_space<vmem>>, vector<1x16xf32>,
        %get3A_371 = vector.shape_cast %get3A_370 : vector<1x16xf32> to vector<16xf32>
        %add3A_372 = arith.addf %add3A_365, %get3A_371 : vector<16xf32>
        %add3A_373 = arith.constant 16 : i32
        %add3A_374 = arith.addi %mul3A_123, %add3A_373 : i32
        %get3A_375 = arith.index_cast %add3A_374 : i32 to index
        %get3A_376 = arith.constant 16 : index
        %get3A_377 = tpu.vector_load %arg6[%get3A_375, %get3A_376] {strides = array<i32>} : memref<640x64xf32, #tpu.memory_space<vmem>>, vector<1x16xf32>,
        %get3A_378 = vector.shape_cast %get3A_377 : vector<1x16xf32> to vector<16xf32>
        %add3A_379 = arith.addf %add3A_372, %get3A_378 : vector<16xf32>
        %add3A_380 = arith.constant 17 : i32
        %add3A_381 = arith.addi %mul3A_123, %add3A_380 : i32
        %get3A_382 = arith.index_cast %add3A_381 : i32 to index
        %get3A_383 = arith.constant 16 : index
        %get3A_384 = tpu.vector_load %arg6[%get3A_382, %get3A_383] {strides = array<i32>} : memref<640x64xf32, #tpu.memory_space<vmem>>, vector<1x16xf32>,
        %get3A_385 = vector.shape_cast %get3A_384 : vector<1x16xf32> to vector<16xf32>
        %add3A_386 = arith.addf %add3A_379, %get3A_385 : vector<16xf32>
        %add3A_387 = arith.constant 18 : i32
        %add3A_388 = arith.addi %mul3A_123, %add3A_387 : i32
        %get3A_389 = arith.index_cast %add3A_388 : i32 to index
        %get3A_390 = arith.constant 16 : index
        %get3A_391 = tpu.vector_load %arg6[%get3A_389, %get3A_390] {strides = array<i32>} : memref<640x64xf32, #tpu.memory_space<vmem>>, vector<1x16xf32>,
        %get3A_392 = vector.shape_cast %get3A_391 : vector<1x16xf32> to vector<16xf32>
        %add3A_393 = arith.addf %add3A_386, %get3A_392 : vector<16xf32>
        %add3A_394 = arith.constant 19 : i32
        %add3A_395 = arith.addi %mul3A_123, %add3A_394 : i32
        %get3A_396 = arith.index_cast %add3A_395 : i32 to index
        %get3A_397 = arith.constant 16 : index
        %get3A_398 = tpu.vector_load %arg6[%get3A_396, %get3A_397] {strides = array<i32>} : memref<640x64xf32, #tpu.memory_space<vmem>>, vector<1x16xf32>,
        %get3A_399 = vector.shape_cast %get3A_398 : vector<1x16xf32> to vector<16xf32>
        %add3A_400 = arith.addf %add3A_393, %get3A_399 : vector<16xf32>
        %swap3A_401 = arith.index_cast %scan3A_121 : i32 to index
        %swap3A_402 = arith.constant 16 : index
        %swap3A_403 = tpu.vector_load %arg7[%swap3A_401, %swap3A_402] {strides = array<i32>} : memref<32x64xf32, #tpu.memory_space<vmem>>, vector<1x16xf32>,
        %swap3A_404 = vector.shape_cast %swap3A_403 : vector<1x16xf32> to vector<16xf32>
        %swap3A_405 = vector.shape_cast %add3A_400 : vector<16xf32> to vector<1x16xf32>
        tpu.vector_store %arg7[%swap3A_401, %swap3A_402], %swap3A_405 {strides = array<i32>} : memref<32x64xf32, #tpu.memory_space<vmem>>, vector<1x16xf32>,
        %get3A_406 = arith.index_cast %mul3A_123 : i32 to index
        %get3A_407 = arith.constant 32 : index
        %get3A_408 = tpu.vector_load %arg6[%get3A_406, %get3A_407] {strides = array<i32>} : memref<640x64xf32, #tpu.memory_space<vmem>>, vector<1x16xf32>,
        %get3A_409 = vector.shape_cast %get3A_408 : vector<1x16xf32> to vector<16xf32>
        %add3A_410 = arith.constant 1 : i32
        %add3A_411 = arith.addi %mul3A_123, %add3A_410 : i32
        %get3A_412 = arith.index_cast %add3A_411 : i32 to index
        %get3A_413 = arith.constant 32 : index
        %get3A_414 = tpu.vector_load %arg6[%get3A_412, %get3A_413] {strides = array<i32>} : memref<640x64xf32, #tpu.memory_space<vmem>>, vector<1x16xf32>,
        %get3A_415 = vector.shape_cast %get3A_414 : vector<1x16xf32> to vector<16xf32>
        %add3A_416 = arith.addf %get3A_409, %get3A_415 : vector<16xf32>
        %add3A_417 = arith.constant 2 : i32
        %add3A_418 = arith.addi %mul3A_123, %add3A_417 : i32
        %get3A_419 = arith.index_cast %add3A_418 : i32 to index
        %get3A_420 = arith.constant 32 : index
        %get3A_421 = tpu.vector_load %arg6[%get3A_419, %get3A_420] {strides = array<i32>} : memref<640x64xf32, #tpu.memory_space<vmem>>, vector<1x16xf32>,
        %get3A_422 = vector.shape_cast %get3A_421 : vector<1x16xf32> to vector<16xf32>
        %add3A_423 = arith.addf %add3A_416, %get3A_422 : vector<16xf32>
        %add3A_424 = arith.constant 3 : i32
        %add3A_425 = arith.addi %mul3A_123, %add3A_424 : i32
        %get3A_426 = arith.index_cast %add3A_425 : i32 to index
        %get3A_427 = arith.constant 32 : index
        %get3A_428 = tpu.vector_load %arg6[%get3A_426, %get3A_427] {strides = array<i32>} : memref<640x64xf32, #tpu.memory_space<vmem>>, vector<1x16xf32>,
        %get3A_429 = vector.shape_cast %get3A_428 : vector<1x16xf32> to vector<16xf32>
        %add3A_430 = arith.addf %add3A_423, %get3A_429 : vector<16xf32>
        %add3A_431 = arith.constant 4 : i32
        %add3A_432 = arith.addi %mul3A_123, %add3A_431 : i32
        %get3A_433 = arith.index_cast %add3A_432 : i32 to index
        %get3A_434 = arith.constant 32 : index
        %get3A_435 = tpu.vector_load %arg6[%get3A_433, %get3A_434] {strides = array<i32>} : memref<640x64xf32, #tpu.memory_space<vmem>>, vector<1x16xf32>,
        %get3A_436 = vector.shape_cast %get3A_435 : vector<1x16xf32> to vector<16xf32>
        %add3A_437 = arith.addf %add3A_430, %get3A_436 : vector<16xf32>
        %add3A_438 = arith.constant 5 : i32
        %add3A_439 = arith.addi %mul3A_123, %add3A_438 : i32
        %get3A_440 = arith.index_cast %add3A_439 : i32 to index
        %get3A_441 = arith.constant 32 : index
        %get3A_442 = tpu.vector_load %arg6[%get3A_440, %get3A_441] {strides = array<i32>} : memref<640x64xf32, #tpu.memory_space<vmem>>, vector<1x16xf32>,
        %get3A_443 = vector.shape_cast %get3A_442 : vector<1x16xf32> to vector<16xf32>
        %add3A_444 = arith.addf %add3A_437, %get3A_443 : vector<16xf32>
        %add3A_445 = arith.constant 6 : i32
        %add3A_446 = arith.addi %mul3A_123, %add3A_445 : i32
        %get3A_447 = arith.index_cast %add3A_446 : i32 to index
        %get3A_448 = arith.constant 32 : index
        %get3A_449 = tpu.vector_load %arg6[%get3A_447, %get3A_448] {strides = array<i32>} : memref<640x64xf32, #tpu.memory_space<vmem>>, vector<1x16xf32>,
        %get3A_450 = vector.shape_cast %get3A_449 : vector<1x16xf32> to vector<16xf32>
        %add3A_451 = arith.addf %add3A_444, %get3A_450 : vector<16xf32>
        %add3A_452 = arith.constant 7 : i32
        %add3A_453 = arith.addi %mul3A_123, %add3A_452 : i32
        %get3A_454 = arith.index_cast %add3A_453 : i32 to index
        %get3A_455 = arith.constant 32 : index
        %get3A_456 = tpu.vector_load %arg6[%get3A_454, %get3A_455] {strides = array<i32>} : memref<640x64xf32, #tpu.memory_space<vmem>>, vector<1x16xf32>,
        %get3A_457 = vector.shape_cast %get3A_456 : vector<1x16xf32> to vector<16xf32>
        %add3A_458 = arith.addf %add3A_451, %get3A_457 : vector<16xf32>
        %add3A_459 = arith.constant 8 : i32
        %add3A_460 = arith.addi %mul3A_123, %add3A_459 : i32
        %get3A_461 = arith.index_cast %add3A_460 : i32 to index
        %get3A_462 = arith.constant 32 : index
        %get3A_463 = tpu.vector_load %arg6[%get3A_461, %get3A_462] {strides = array<i32>} : memref<640x64xf32, #tpu.memory_space<vmem>>, vector<1x16xf32>,
        %get3A_464 = vector.shape_cast %get3A_463 : vector<1x16xf32> to vector<16xf32>
        %add3A_465 = arith.addf %add3A_458, %get3A_464 : vector<16xf32>
        %add3A_466 = arith.constant 9 : i32
        %add3A_467 = arith.addi %mul3A_123, %add3A_466 : i32
        %get3A_468 = arith.index_cast %add3A_467 : i32 to index
        %get3A_469 = arith.constant 32 : index
        %get3A_470 = tpu.vector_load %arg6[%get3A_468, %get3A_469] {strides = array<i32>} : memref<640x64xf32, #tpu.memory_space<vmem>>, vector<1x16xf32>,
        %get3A_471 = vector.shape_cast %get3A_470 : vector<1x16xf32> to vector<16xf32>
        %add3A_472 = arith.addf %add3A_465, %get3A_471 : vector<16xf32>
        %add3A_473 = arith.constant 10 : i32
        %add3A_474 = arith.addi %mul3A_123, %add3A_473 : i32
        %get3A_475 = arith.index_cast %add3A_474 : i32 to index
        %get3A_476 = arith.constant 32 : index
        %get3A_477 = tpu.vector_load %arg6[%get3A_475, %get3A_476] {strides = array<i32>} : memref<640x64xf32, #tpu.memory_space<vmem>>, vector<1x16xf32>,
        %get3A_478 = vector.shape_cast %get3A_477 : vector<1x16xf32> to vector<16xf32>
        %add3A_479 = arith.addf %add3A_472, %get3A_478 : vector<16xf32>
        %add3A_480 = arith.constant 11 : i32
        %add3A_481 = arith.addi %mul3A_123, %add3A_480 : i32
        %get3A_482 = arith.index_cast %add3A_481 : i32 to index
        %get3A_483 = arith.constant 32 : index
        %get3A_484 = tpu.vector_load %arg6[%get3A_482, %get3A_483] {strides = array<i32>} : memref<640x64xf32, #tpu.memory_space<vmem>>, vector<1x16xf32>,
        %get3A_485 = vector.shape_cast %get3A_484 : vector<1x16xf32> to vector<16xf32>
        %add3A_486 = arith.addf %add3A_479, %get3A_485 : vector<16xf32>
        %add3A_487 = arith.constant 12 : i32
        %add3A_488 = arith.addi %mul3A_123, %add3A_487 : i32
        %get3A_489 = arith.index_cast %add3A_488 : i32 to index
        %get3A_490 = arith.constant 32 : index
        %get3A_491 = tpu.vector_load %arg6[%get3A_489, %get3A_490] {strides = array<i32>} : memref<640x64xf32, #tpu.memory_space<vmem>>, vector<1x16xf32>,
        %get3A_492 = vector.shape_cast %get3A_491 : vector<1x16xf32> to vector<16xf32>
        %add3A_493 = arith.addf %add3A_486, %get3A_492 : vector<16xf32>
        %add3A_494 = arith.constant 13 : i32
        %add3A_495 = arith.addi %mul3A_123, %add3A_494 : i32
        %get3A_496 = arith.index_cast %add3A_495 : i32 to index
        %get3A_497 = arith.constant 32 : index
        %get3A_498 = tpu.vector_load %arg6[%get3A_496, %get3A_497] {strides = array<i32>} : memref<640x64xf32, #tpu.memory_space<vmem>>, vector<1x16xf32>,
        %get3A_499 = vector.shape_cast %get3A_498 : vector<1x16xf32> to vector<16xf32>
        %add3A_500 = arith.addf %add3A_493, %get3A_499 : vector<16xf32>
        %add3A_501 = arith.constant 14 : i32
        %add3A_502 = arith.addi %mul3A_123, %add3A_501 : i32
        %get3A_503 = arith.index_cast %add3A_502 : i32 to index
        %get3A_504 = arith.constant 32 : index
        %get3A_505 = tpu.vector_load %arg6[%get3A_503, %get3A_504] {strides = array<i32>} : memref<640x64xf32, #tpu.memory_space<vmem>>, vector<1x16xf32>,
        %get3A_506 = vector.shape_cast %get3A_505 : vector<1x16xf32> to vector<16xf32>
        %add3A_507 = arith.addf %add3A_500, %get3A_506 : vector<16xf32>
        %add3A_508 = arith.constant 15 : i32
        %add3A_509 = arith.addi %mul3A_123, %add3A_508 : i32
        %get3A_510 = arith.index_cast %add3A_509 : i32 to index
        %get3A_511 = arith.constant 32 : index
        %get3A_512 = tpu.vector_load %arg6[%get3A_510, %get3A_511] {strides = array<i32>} : memref<640x64xf32, #tpu.memory_space<vmem>>, vector<1x16xf32>,
        %get3A_513 = vector.shape_cast %get3A_512 : vector<1x16xf32> to vector<16xf32>
        %add3A_514 = arith.addf %add3A_507, %get3A_513 : vector<16xf32>
        %add3A_515 = arith.constant 16 : i32
        %add3A_516 = arith.addi %mul3A_123, %add3A_515 : i32
        %get3A_517 = arith.index_cast %add3A_516 : i32 to index
        %get3A_518 = arith.constant 32 : index
        %get3A_519 = tpu.vector_load %arg6[%get3A_517, %get3A_518] {strides = array<i32>} : memref<640x64xf32, #tpu.memory_space<vmem>>, vector<1x16xf32>,
        %get3A_520 = vector.shape_cast %get3A_519 : vector<1x16xf32> to vector<16xf32>
        %add3A_521 = arith.addf %add3A_514, %get3A_520 : vector<16xf32>
        %add3A_522 = arith.constant 17 : i32
        %add3A_523 = arith.addi %mul3A_123, %add3A_522 : i32
        %get3A_524 = arith.index_cast %add3A_523 : i32 to index
        %get3A_525 = arith.constant 32 : index
        %get3A_526 = tpu.vector_load %arg6[%get3A_524, %get3A_525] {strides = array<i32>} : memref<640x64xf32, #tpu.memory_space<vmem>>, vector<1x16xf32>,
        %get3A_527 = vector.shape_cast %get3A_526 : vector<1x16xf32> to vector<16xf32>
        %add3A_528 = arith.addf %add3A_521, %get3A_527 : vector<16xf32>
        %add3A_529 = arith.constant 18 : i32
        %add3A_530 = arith.addi %mul3A_123, %add3A_529 : i32
        %get3A_531 = arith.index_cast %add3A_530 : i32 to index
        %get3A_532 = arith.constant 32 : index
        %get3A_533 = tpu.vector_load %arg6[%get3A_531, %get3A_532] {strides = array<i32>} : memref<640x64xf32, #tpu.memory_space<vmem>>, vector<1x16xf32>,
        %get3A_534 = vector.shape_cast %get3A_533 : vector<1x16xf32> to vector<16xf32>
        %add3A_535 = arith.addf %add3A_528, %get3A_534 : vector<16xf32>
        %add3A_536 = arith.constant 19 : i32
        %add3A_537 = arith.addi %mul3A_123, %add3A_536 : i32
        %get3A_538 = arith.index_cast %add3A_537 : i32 to index
        %get3A_539 = arith.constant 32 : index
        %get3A_540 = tpu.vector_load %arg6[%get3A_538, %get3A_539] {strides = array<i32>} : memref<640x64xf32, #tpu.memory_space<vmem>>, vector<1x16xf32>,
        %get3A_541 = vector.shape_cast %get3A_540 : vector<1x16xf32> to vector<16xf32>
        %add3A_542 = arith.addf %add3A_535, %get3A_541 : vector<16xf32>
        %swap3A_543 = arith.index_cast %scan3A_121 : i32 to index
        %swap3A_544 = arith.constant 32 : index
        %swap3A_545 = tpu.vector_load %arg7[%swap3A_543, %swap3A_544] {strides = array<i32>} : memref<32x64xf32, #tpu.memory_space<vmem>>, vector<1x16xf32>,
        %swap3A_546 = vector.shape_cast %swap3A_545 : vector<1x16xf32> to vector<16xf32>
        %swap3A_547 = vector.shape_cast %add3A_542 : vector<16xf32> to vector<1x16xf32>
        tpu.vector_store %arg7[%swap3A_543, %swap3A_544], %swap3A_547 {strides = array<i32>} : memref<32x64xf32, #tpu.memory_space<vmem>>, vector<1x16xf32>,
        %get3A_548 = arith.index_cast %mul3A_123 : i32 to index
        %get3A_549 = arith.constant 48 : index
        %get3A_550 = tpu.vector_load %arg6[%get3A_548, %get3A_549] {strides = array<i32>} : memref<640x64xf32, #tpu.memory_space<vmem>>, vector<1x16xf32>,
        %get3A_551 = vector.shape_cast %get3A_550 : vector<1x16xf32> to vector<16xf32>
        %add3A_552 = arith.constant 1 : i32
        %add3A_553 = arith.addi %mul3A_123, %add3A_552 : i32
        %get3A_554 = arith.index_cast %add3A_553 : i32 to index
        %get3A_555 = arith.constant 48 : index
        %get3A_556 = tpu.vector_load %arg6[%get3A_554, %get3A_555] {strides = array<i32>} : memref<640x64xf32, #tpu.memory_space<vmem>>, vector<1x16xf32>,
        %get3A_557 = vector.shape_cast %get3A_556 : vector<1x16xf32> to vector<16xf32>
        %add3A_558 = arith.addf %get3A_551, %get3A_557 : vector<16xf32>
        %add3A_559 = arith.constant 2 : i32
        %add3A_560 = arith.addi %mul3A_123, %add3A_559 : i32
        %get3A_561 = arith.index_cast %add3A_560 : i32 to index
        %get3A_562 = arith.constant 48 : index
        %get3A_563 = tpu.vector_load %arg6[%get3A_561, %get3A_562] {strides = array<i32>} : memref<640x64xf32, #tpu.memory_space<vmem>>, vector<1x16xf32>,
        %get3A_564 = vector.shape_cast %get3A_563 : vector<1x16xf32> to vector<16xf32>
        %add3A_565 = arith.addf %add3A_558, %get3A_564 : vector<16xf32>
        %add3A_566 = arith.constant 3 : i32
        %add3A_567 = arith.addi %mul3A_123, %add3A_566 : i32
        %get3A_568 = arith.index_cast %add3A_567 : i32 to index
        %get3A_569 = arith.constant 48 : index
        %get3A_570 = tpu.vector_load %arg6[%get3A_568, %get3A_569] {strides = array<i32>} : memref<640x64xf32, #tpu.memory_space<vmem>>, vector<1x16xf32>,
        %get3A_571 = vector.shape_cast %get3A_570 : vector<1x16xf32> to vector<16xf32>
        %add3A_572 = arith.addf %add3A_565, %get3A_571 : vector<16xf32>
        %add3A_573 = arith.constant 4 : i32
        %add3A_574 = arith.addi %mul3A_123, %add3A_573 : i32
        %get3A_575 = arith.index_cast %add3A_574 : i32 to index
        %get3A_576 = arith.constant 48 : index
        %get3A_577 = tpu.vector_load %arg6[%get3A_575, %get3A_576] {strides = array<i32>} : memref<640x64xf32, #tpu.memory_space<vmem>>, vector<1x16xf32>,
        %get3A_578 = vector.shape_cast %get3A_577 : vector<1x16xf32> to vector<16xf32>
        %add3A_579 = arith.addf %add3A_572, %get3A_578 : vector<16xf32>
        %add3A_580 = arith.constant 5 : i32
        %add3A_581 = arith.addi %mul3A_123, %add3A_580 : i32
        %get3A_582 = arith.index_cast %add3A_581 : i32 to index
        %get3A_583 = arith.constant 48 : index
        %get3A_584 = tpu.vector_load %arg6[%get3A_582, %get3A_583] {strides = array<i32>} : memref<640x64xf32, #tpu.memory_space<vmem>>, vector<1x16xf32>,
        %get3A_585 = vector.shape_cast %get3A_584 : vector<1x16xf32> to vector<16xf32>
        %add3A_586 = arith.addf %add3A_579, %get3A_585 : vector<16xf32>
        %add3A_587 = arith.constant 6 : i32
        %add3A_588 = arith.addi %mul3A_123, %add3A_587 : i32
        %get3A_589 = arith.index_cast %add3A_588 : i32 to index
        %get3A_590 = arith.constant 48 : index
        %get3A_591 = tpu.vector_load %arg6[%get3A_589, %get3A_590] {strides = array<i32>} : memref<640x64xf32, #tpu.memory_space<vmem>>, vector<1x16xf32>,
        %get3A_592 = vector.shape_cast %get3A_591 : vector<1x16xf32> to vector<16xf32>
        %add3A_593 = arith.addf %add3A_586, %get3A_592 : vector<16xf32>
        %add3A_594 = arith.constant 7 : i32
        %add3A_595 = arith.addi %mul3A_123, %add3A_594 : i32
        %get3A_596 = arith.index_cast %add3A_595 : i32 to index
        %get3A_597 = arith.constant 48 : index
        %get3A_598 = tpu.vector_load %arg6[%get3A_596, %get3A_597] {strides = array<i32>} : memref<640x64xf32, #tpu.memory_space<vmem>>, vector<1x16xf32>,
        %get3A_599 = vector.shape_cast %get3A_598 : vector<1x16xf32> to vector<16xf32>
        %add3A_600 = arith.addf %add3A_593, %get3A_599 : vector<16xf32>
        %add3A_601 = arith.constant 8 : i32
        %add3A_602 = arith.addi %mul3A_123, %add3A_601 : i32
        %get3A_603 = arith.index_cast %add3A_602 : i32 to index
        %get3A_604 = arith.constant 48 : index
        %get3A_605 = tpu.vector_load %arg6[%get3A_603, %get3A_604] {strides = array<i32>} : memref<640x64xf32, #tpu.memory_space<vmem>>, vector<1x16xf32>,
        %get3A_606 = vector.shape_cast %get3A_605 : vector<1x16xf32> to vector<16xf32>
        %add3A_607 = arith.addf %add3A_600, %get3A_606 : vector<16xf32>
        %add3A_608 = arith.constant 9 : i32
        %add3A_609 = arith.addi %mul3A_123, %add3A_608 : i32
        %get3A_610 = arith.index_cast %add3A_609 : i32 to index
        %get3A_611 = arith.constant 48 : index
        %get3A_612 = tpu.vector_load %arg6[%get3A_610, %get3A_611] {strides = array<i32>} : memref<640x64xf32, #tpu.memory_space<vmem>>, vector<1x16xf32>,
        %get3A_613 = vector.shape_cast %get3A_612 : vector<1x16xf32> to vector<16xf32>
        %add3A_614 = arith.addf %add3A_607, %get3A_613 : vector<16xf32>
        %add3A_615 = arith.constant 10 : i32
        %add3A_616 = arith.addi %mul3A_123, %add3A_615 : i32
        %get3A_617 = arith.index_cast %add3A_616 : i32 to index
        %get3A_618 = arith.constant 48 : index
        %get3A_619 = tpu.vector_load %arg6[%get3A_617, %get3A_618] {strides = array<i32>} : memref<640x64xf32, #tpu.memory_space<vmem>>, vector<1x16xf32>,
        %get3A_620 = vector.shape_cast %get3A_619 : vector<1x16xf32> to vector<16xf32>
        %add3A_621 = arith.addf %add3A_614, %get3A_620 : vector<16xf32>
        %add3A_622 = arith.constant 11 : i32
        %add3A_623 = arith.addi %mul3A_123, %add3A_622 : i32
        %get3A_624 = arith.index_cast %add3A_623 : i32 to index
        %get3A_625 = arith.constant 48 : index
        %get3A_626 = tpu.vector_load %arg6[%get3A_624, %get3A_625] {strides = array<i32>} : memref<640x64xf32, #tpu.memory_space<vmem>>, vector<1x16xf32>,
        %get3A_627 = vector.shape_cast %get3A_626 : vector<1x16xf32> to vector<16xf32>
        %add3A_628 = arith.addf %add3A_621, %get3A_627 : vector<16xf32>
        %add3A_629 = arith.constant 12 : i32
        %add3A_630 = arith.addi %mul3A_123, %add3A_629 : i32
        %get3A_631 = arith.index_cast %add3A_630 : i32 to index
        %get3A_632 = arith.constant 48 : index
        %get3A_633 = tpu.vector_load %arg6[%get3A_631, %get3A_632] {strides = array<i32>} : memref<640x64xf32, #tpu.memory_space<vmem>>, vector<1x16xf32>,
        %get3A_634 = vector.shape_cast %get3A_633 : vector<1x16xf32> to vector<16xf32>
        %add3A_635 = arith.addf %add3A_628, %get3A_634 : vector<16xf32>
        %add3A_636 = arith.constant 13 : i32
        %add3A_637 = arith.addi %mul3A_123, %add3A_636 : i32
        %get3A_638 = arith.index_cast %add3A_637 : i32 to index
        %get3A_639 = arith.constant 48 : index
        %get3A_640 = tpu.vector_load %arg6[%get3A_638, %get3A_639] {strides = array<i32>} : memref<640x64xf32, #tpu.memory_space<vmem>>, vector<1x16xf32>,
        %get3A_641 = vector.shape_cast %get3A_640 : vector<1x16xf32> to vector<16xf32>
        %add3A_642 = arith.addf %add3A_635, %get3A_641 : vector<16xf32>
        %add3A_643 = arith.constant 14 : i32
        %add3A_644 = arith.addi %mul3A_123, %add3A_643 : i32
        %get3A_645 = arith.index_cast %add3A_644 : i32 to index
        %get3A_646 = arith.constant 48 : index
        %get3A_647 = tpu.vector_load %arg6[%get3A_645, %get3A_646] {strides = array<i32>} : memref<640x64xf32, #tpu.memory_space<vmem>>, vector<1x16xf32>,
        %get3A_648 = vector.shape_cast %get3A_647 : vector<1x16xf32> to vector<16xf32>
        %add3A_649 = arith.addf %add3A_642, %get3A_648 : vector<16xf32>
        %add3A_650 = arith.constant 15 : i32
        %add3A_651 = arith.addi %mul3A_123, %add3A_650 : i32
        %get3A_652 = arith.index_cast %add3A_651 : i32 to index
        %get3A_653 = arith.constant 48 : index
        %get3A_654 = tpu.vector_load %arg6[%get3A_652, %get3A_653] {strides = array<i32>} : memref<640x64xf32, #tpu.memory_space<vmem>>, vector<1x16xf32>,
        %get3A_655 = vector.shape_cast %get3A_654 : vector<1x16xf32> to vector<16xf32>
        %add3A_656 = arith.addf %add3A_649, %get3A_655 : vector<16xf32>
        %add3A_657 = arith.constant 16 : i32
        %add3A_658 = arith.addi %mul3A_123, %add3A_657 : i32
        %get3A_659 = arith.index_cast %add3A_658 : i32 to index
        %get3A_660 = arith.constant 48 : index
        %get3A_661 = tpu.vector_load %arg6[%get3A_659, %get3A_660] {strides = array<i32>} : memref<640x64xf32, #tpu.memory_space<vmem>>, vector<1x16xf32>,
        %get3A_662 = vector.shape_cast %get3A_661 : vector<1x16xf32> to vector<16xf32>
        %add3A_663 = arith.addf %add3A_656, %get3A_662 : vector<16xf32>
        %add3A_664 = arith.constant 17 : i32
        %add3A_665 = arith.addi %mul3A_123, %add3A_664 : i32
        %get3A_666 = arith.index_cast %add3A_665 : i32 to index
        %get3A_667 = arith.constant 48 : index
        %get3A_668 = tpu.vector_load %arg6[%get3A_666, %get3A_667] {strides = array<i32>} : memref<640x64xf32, #tpu.memory_space<vmem>>, vector<1x16xf32>,
        %get3A_669 = vector.shape_cast %get3A_668 : vector<1x16xf32> to vector<16xf32>
        %add3A_670 = arith.addf %add3A_663, %get3A_669 : vector<16xf32>
        %add3A_671 = arith.constant 18 : i32
        %add3A_672 = arith.addi %mul3A_123, %add3A_671 : i32
        %get3A_673 = arith.index_cast %add3A_672 : i32 to index
        %get3A_674 = arith.constant 48 : index
        %get3A_675 = tpu.vector_load %arg6[%get3A_673, %get3A_674] {strides = array<i32>} : memref<640x64xf32, #tpu.memory_space<vmem>>, vector<1x16xf32>,
        %get3A_676 = vector.shape_cast %get3A_675 : vector<1x16xf32> to vector<16xf32>
        %add3A_677 = arith.addf %add3A_670, %get3A_676 : vector<16xf32>
        %add3A_678 = arith.constant 19 : i32
        %add3A_679 = arith.addi %mul3A_123, %add3A_678 : i32
        %get3A_680 = arith.index_cast %add3A_679 : i32 to index
        %get3A_681 = arith.constant 48 : index
        %get3A_682 = tpu.vector_load %arg6[%get3A_680, %get3A_681] {strides = array<i32>} : memref<640x64xf32, #tpu.memory_space<vmem>>, vector<1x16xf32>,
        %get3A_683 = vector.shape_cast %get3A_682 : vector<1x16xf32> to vector<16xf32>
        %add3A_684 = arith.addf %add3A_677, %get3A_683 : vector<16xf32>
        %swap3A_685 = arith.index_cast %scan3A_121 : i32 to index
        %swap3A_686 = arith.constant 48 : index
        %swap3A_687 = tpu.vector_load %arg7[%swap3A_685, %swap3A_686] {strides = array<i32>} : memref<32x64xf32, #tpu.memory_space<vmem>>, vector<1x16xf32>,
        %swap3A_688 = vector.shape_cast %swap3A_687 : vector<1x16xf32> to vector<16xf32>
        %swap3A_689 = vector.shape_cast %add3A_684 : vector<16xf32> to vector<1x16xf32>
        tpu.vector_store %arg7[%swap3A_685, %swap3A_686], %swap3A_689 {strides = array<i32>} : memref<32x64xf32, #tpu.memory_space<vmem>>, vector<1x16xf32>,
      }
      %scan3A_117 = arith.constant 32 : i32
      %mul3A_118 = arith.constant 32 : i32
      %mul3A_119 = arith.muli %scan3A_10, %mul3A_118 : i32
      %add3A_120 = arith.addi %mul3A_4, %mul3A_119 : i32
      "tpu.region"() ({
        %run_scoped3A = tpu.sem_alloc : memref<!tpu.dma_semaphore, #tpu.memory_space<semaphore_mem>>
        %dma_start3A_121 = arith.constant 0 : i32
        %dma_start3A_122 = tpu.memref_slice %arg4[%add3A_120, %dma_start3A_121] : memref<20480x64xf32, #tpu.memory_space<hbm>> -> memref<32x64xf32, #tpu.memory_space<hbm>>
        %dma_start3A_123 = arith.constant 0 : i32
        %dma_start3A_124 = tpu.memref_slice %arg4[%add3A_120, %dma_start3A_123] : memref<20480x64xf32, #tpu.memory_space<hbm>> -> memref<32x64xf32, #tpu.memory_space<hbm>>
        tpu.enqueue_dma source(%arg7 : memref<32x64xf32, #tpu.memory_space<vmem>>) target(%dma_start3A_124 : memref<32x64xf32, #tpu.memory_space<hbm>>) target_semaphore(%run_scoped3A : memref<!tpu.dma_semaphore, #tpu.memory_space<semaphore_mem>>)
        %dma_wait3A_125 = arith.constant 0 : i32
        %dma_wait3A_126 = tpu.memref_slice %arg4[%add3A_120, %dma_wait3A_125] : memref<20480x64xf32, #tpu.memory_space<hbm>> -> memref<32x64xf32, #tpu.memory_space<hbm>>
        %dma_wait3A_127 = arith.constant 0 : i32
        %dma_wait3A_128 = tpu.memref_slice %arg4[%add3A_120, %dma_wait3A_127] : memref<20480x64xf32, #tpu.memory_space<hbm>> -> memref<32x64xf32, #tpu.memory_space<hbm>>
        tpu.wait_dma2 semaphore(%run_scoped3A : memref<!tpu.dma_semaphore, #tpu.memory_space<semaphore_mem>>) src(%arg7 : memref<32x64xf32, #tpu.memory_space<vmem>>) dst(%dma_wait3A_128 : memref<32x64xf32, #tpu.memory_space<hbm>>)
        tpu.yield
      }) : () -> ()
    }
    %scan3A_9 = arith.constant 20 : i32
    return
  }
}

module attributes {stable_mosaic.version = 14 : i64} {
  func.func @_tc_repack(%arg0: i32, %arg1: memref<64x6400xf32, #tpu.memory_space<vmem>>, %arg2: memref<3200x128xf32, #tpu.memory_space<vmem>>, %arg3: memref<6400x64xf32, #tpu.memory_space<vmem>>) attributes {dimension_semantics = [#tpu.dimension_semantics<arbitrary>], iteration_bounds = array<i64: 157>, scalar_prefetch = 0 : i64, scratch_operands = 1 : i64, tpu.core_type = #tpu.core_type<tc>, window_params = [{transform_indices = @transform_0, window_bounds = array<i64: 64, 6400>}, {transform_indices = @transform_1, window_bounds = array<i64: 3200, 128>}]} {
    %get3A = arith.constant 0 : index
    %get3A_0 = arith.constant 0 : index
    %get3A_1 = vector.load %arg1[%get3A, %get3A_0] : memref<64x6400xf32, #tpu.memory_space<vmem>>, vector<64x6400xf32>
    %transpose3A = tpu.transpose %get3A_1, [1, 0] : vector<64x6400xf32> -> vector<6400x64xf32>
    %swap3A = arith.constant 0 : index
    %swap3A_2 = arith.constant 0 : index
    %swap3A_3 = vector.load %arg3[%swap3A, %swap3A_2] : memref<6400x64xf32, #tpu.memory_space<vmem>>, vector<6400x64xf32>
    tpu.vector_store %arg3[%swap3A, %swap3A_2], %transpose3A {strides = array<i32>} : memref<6400x64xf32, #tpu.memory_space<vmem>>, vector<6400x64xf32>,
    %get3A_4 = arith.constant 0 : index
    %get3A_5 = arith.constant 0 : index
    %get3A_6 = tpu.strided_load %arg3[%get3A_4, %get3A_5] {strides = array<i32: 2, 1>} : memref<6400x64xf32, #tpu.memory_space<vmem>>, vector<3200x64xf32>
    %get3A_7 = arith.constant 1 : index
    %get3A_8 = arith.constant 0 : index
    %get3A_9 = tpu.strided_load %arg3[%get3A_7, %get3A_8] {strides = array<i32: 2, 1>} : memref<6400x64xf32, #tpu.memory_space<vmem>>, vector<3200x64xf32>
    %concatenate3A = tpu.concatenate %get3A_6, %get3A_9 in 1 : vector<3200x64xf32>, vector<3200x64xf32> -> vector<3200x128xf32>
    %swap3A_10 = arith.constant 0 : index
    %swap3A_11 = arith.constant 0 : index
    %swap3A_12 = vector.load %arg2[%swap3A_10, %swap3A_11] : memref<3200x128xf32, #tpu.memory_space<vmem>>, vector<3200x128xf32>
    tpu.vector_store %arg2[%swap3A_10, %swap3A_11], %concatenate3A {strides = array<i32>} : memref<3200x128xf32, #tpu.memory_space<vmem>>, vector<3200x128xf32>,
    return
  }
  func.func @transform_0(%arg0: i32) -> (i32, i32) {
    %c0_i32 = arith.constant 0 : i32
    %c0_i32_0 = arith.constant 0 : i32
    return %c0_i32, %arg0 : i32, i32
  }
  func.func @transform_1(%arg0: i32) -> (i32, i32) {
    %c0_i32 = arith.constant 0 : i32
    %c0_i32_0 = arith.constant 0 : i32
    return %arg0, %c0_i32 : i32, i32
  }
}

module attributes {stable_mosaic.version = 14 : i64} {
  func.func @_tc_head(%arg0: i32, %arg1: memref<1024x64xf32, #tpu.memory_space<vmem>>, %arg2: memref<1x64xf32, #tpu.memory_space<vmem>>, %arg3: memref<1xf32, #tpu.memory_space<smem>>, %arg4: memref<1024x1xf32, #tpu.memory_space<vmem>>) attributes {dimension_semantics = [#tpu.dimension_semantics<arbitrary>], iteration_bounds = array<i64: 20>, scalar_prefetch = 0 : i64, scratch_operands = 0 : i64, tpu.core_type = #tpu.core_type<tc>, window_params = [{transform_indices = @transform_0, window_bounds = array<i64: 1024, 64>}, {pipeline_mode = #tpu.pipeline_mode<synchronous>, transform_indices = @transform_1, window_bounds = array<i64: 1, 64>}, {transform_indices = @transform_2, window_bounds = array<i64: 1>}, {transform_indices = @transform_3, window_bounds = array<i64: 1024, 1>}]} {
    %get3A = arith.constant 0 : index
    %get3A_0 = arith.constant 0 : index
    %get3A_1 = vector.load %arg1[%get3A, %get3A_0] : memref<1024x64xf32, #tpu.memory_space<vmem>>, vector<1024x64xf32>
    %mul3A = arith.constant 5.000000e-02 : f32
    %mul3A_2 = vector.broadcast %mul3A : f32 to vector<1024x64xf32>
    %mul3A_3 = arith.mulf %get3A_1, %mul3A_2 : vector<1024x64xf32>
    %mul3A_4 = arith.constant 5.000000e-01 : f32
    %mul3A_5 = vector.broadcast %mul3A_4 : f32 to vector<1024x64xf32>
    %mul3A_6 = arith.mulf %mul3A_5, %mul3A_3 : vector<1024x64xf32>
    %mul3A_7 = arith.constant 0.707106769 : f32
    %mul3A_8 = vector.broadcast %mul3A_7 : f32 to vector<1024x64xf32>
    %mul3A_9 = arith.mulf %mul3A_3, %mul3A_8 : vector<1024x64xf32>
    %erf3A = math.erf %mul3A_9 : vector<1024x64xf32>
    %add3A = arith.constant 1.000000e+00 : f32
    %add3A_10 = vector.broadcast %add3A : f32 to vector<1024x64xf32>
    %add3A_11 = arith.addf %add3A_10, %erf3A : vector<1024x64xf32>
    %mul3A_12 = arith.mulf %mul3A_6, %add3A_11 : vector<1024x64xf32>
    %get3A_13 = arith.constant 0 : index
    %get3A_14 = arith.constant 0 : index
    %get3A_15 = vector.load %arg2[%get3A_13, %get3A_14] : memref<1x64xf32, #tpu.memory_space<vmem>>, vector<1x64xf32>
    %get3A_16 = vector.shape_cast %get3A_15 : vector<1x64xf32> to vector<64xf32>
    %broadcast_in_dim3A = vector.shape_cast %get3A_16 : vector<64xf32> to vector<1x64xf32>
    %mul3A_17 = vector.broadcast %broadcast_in_dim3A : vector<1x64xf32> to vector<1024x64xf32>
    %mul3A_18 = arith.mulf %mul3A_12, %mul3A_17 : vector<1024x64xf32>
    %reduce_sum3A = arith.constant dense<0.000000e+00> : vector<1024xf32>
    %reduce_sum3A_19 = vector.multi_reduction <add>, %mul3A_18, %reduce_sum3A [1] : vector<1024x64xf32> to vector<1024xf32>
    %broadcast_in_dim3A_20 = vector.shape_cast %reduce_sum3A_19 : vector<1024xf32> to vector<1024x1xf32>
    %get3A_21 = arith.constant 0 : index
    %get3A_22 = memref.load %arg3[%get3A_21] : memref<1xf32, #tpu.memory_space<smem>>
    %add3A_23 = vector.broadcast %get3A_22 : f32 to vector<1024x1xf32>
    %add3A_24 = arith.addf %broadcast_in_dim3A_20, %add3A_23 : vector<1024x1xf32>
    %swap3A = arith.constant 0 : index
    %swap3A_25 = arith.constant 0 : index
    %swap3A_26 = vector.load %arg4[%swap3A, %swap3A_25] : memref<1024x1xf32, #tpu.memory_space<vmem>>, vector<1024x1xf32>
    tpu.vector_store %arg4[%swap3A, %swap3A_25], %add3A_24 {strides = array<i32>} : memref<1024x1xf32, #tpu.memory_space<vmem>>, vector<1024x1xf32>,
    return
  }
  func.func @transform_0(%arg0: i32) -> (i32, i32) {
    %c0_i32 = arith.constant 0 : i32
    %c0_i32_0 = arith.constant 0 : i32
    return %arg0, %c0_i32 : i32, i32
  }
  func.func @transform_1(%arg0: i32) -> (i32, i32) {
    %c0_i32 = arith.constant 0 : i32
    %c0_i32_0 = arith.constant 0 : i32
    %c0_i32_1 = arith.constant 0 : i32
    return %c0_i32, %c0_i32_0 : i32, i32
  }
  func.func @transform_2(%arg0: i32) -> i32 {
    %c0_i32 = arith.constant 0 : i32
    %c0_i32_0 = arith.constant 0 : i32
    return %c0_i32 : i32
  }
  func.func @transform_3(%arg0: i32) -> (i32, i32) {
    %c0_i32 = arith.constant 0 : i32
    %c0_i32_0 = arith.constant 0 : i32
    return %arg0, %c0_i32 : i32, i32
  }
}

</mosaic_0001>

<sc_bundles>
// kernel: kernel.5.cloned.1.call-start
scs
__scs_entry_jumppad:
0x0: {  	(pc) =	sbr.rel $0x88, $3  }
0x1: {  	(tag) =	ssettag $0x0;
	lr =	simm.s32 $0x1  }
0x2: {  	[smem:$0x3F9D] =	sst lr;
	_ =	strace $0xD0000000  }
0x3: {  	_ = 	snop  }
0x4: {  	_ = 	snop  }
0x5: {  	_ = 	snop  }
0x6: {  	_ = 	snop  }
0x7: {  	_ = 	snop  }
__scs_overlays_trampoline_lowered:
0x8: {  	[smem:$0x3FAC] =	sst s0  }
0x9: {  	[smem:$0x3FAD] =	sst s1  }
0xa: {  	[smem:$0x3FAE] =	sst s2  }
0xb: {  	[smem:$0x3FAF] =	sst s3  }
0xc: {  	[smem:$0x3FB0] =	sst s4  }
0xd: {  	[smem:$0x3FB1] =	sst s5  }
0xe: {  	[smem:$0x3FB2] =	sst s6  }
0xf: {  	[smem:$0x3FB3] =	sst s7  }
0x10: {  	[smem:$0x3FB4] =	sst s8  }
0x11: {  	[smem:$0x3FB5] =	sst s9;
	s0 =	simm.s32 @!p0 $0x0  }
0x12: {  	s1 =	sld [smem:$0x3F9B];
	s0 =	simm.s32 @p0 $0x1  }
0x13: {  	[smem:$0x3FB6] =	sst s0;
	s0 =	simm.s32 @!p1 $0x0  }
0x14: {  	s2 =	sld [smem:$0x3F9A];
	s0 =	simm.s32 @p1 $0x1  }
0x15: {  	[smem:$0x3FB7] =	sst s0;
	s0 =	simm.s32 @!p2 $0x0  }
0x16: {  	s3 =	sld [smem:$0x3FDB];
	s0 =	simm.s32 @p2 $0x1  }
0x17: {  	s4 =	simm.s32 $0x1BF5;
	[smem:$0x3FB9] =	sst s0  }
0x18: {  	s0 =	sld [smem:$0x3F9C];
	_ =	swait.ge [sflag:s4], $0x0  }
0x19: {  	s7 =	sld [smem:$0x3F9D]  }
0x1a: {  	s8 =	sadd.s32 $0xFFFFE003, lr  }
0x1b: {  	s9 =	sadd.s32 $0xFFFFFEF7, lr;
	s5 =	simm.s32 $0xFFFFFFFF;
	p2 =	slt.u32 s8, $0xFFFFF086  }
0x1c: {  	p1 =	slt.u32 s9, $0xF7A;
	s5 =	simm.s32 @!p2 $0x0  }
0x1d: {  	s5 =	simm.s32 @p1 $0x1;
	p0 =	seq.s32 s7, s2  }
0x1e: {  	s7 =	smul.u32 @!p0 $0xF7A, s2;
	p2 =	seq.s32 @!p0 s5, $0x0  }
0x1f: {  	s9 =	smul.u32 $0xF7A, s1;
	s8 =	simm.s32 @!p0 $0x1BF5;
	p2 =	por !p2, p0  }
0x20: {  	[sflag:s8] =	ssyncset.s32 @!p0 $0xFFFFF086;
	s6 =	sadd.s32 @!p0 s3, s7;
	s7 =	simm.s32 @!p0 $0x108  }
0x21: {  	s3 =	sadd.s32 s3, s9;
	s6 =	sadd.s32 @!p0 $0x88, s6;
	s7 =	simm.s32 @p2 $0x1082  }
0x22: {  	[simem:s7], [sflag:s8] =	dma.local @!p0 [hbm:s6], $0xF7A  }
0x23: {  	s9 =	sor.u32 $0xD0000000, s2;
	s6 =	simm.s32 $0x108;
	_ =	swait.ge @!p0 [sflag:s8], $0x0  }
0x24: {  	s3 =	sadd.s32 $0x88, s3;
	s6 =	simm.s32 @!p1 $0x1082;
	[sflag:s4] =	ssyncset.s32 $0xFFFFF086  }
0x25: {  	[simem:s6], [sflag:s4] =	dma.local [hbm:s3], $0xF7A  }
0x26: {  	[smem:$0x3F9D] =	sst s1;
	(tag) =	ssettag s2;
	_ =	strace s9  }
0x27: {  	s1 =	sld [smem:$0x3FAD]  }
0x28: {  	s2 =	sld [smem:$0x3FAE]  }
0x29: {  	s4 =	sld [smem:$0x3FB0]  }
0x2a: {  	p0 =	seq.s32 s5, $0x0;
	s5 =	sld [smem:$0x3FB1]  }
0x2b: {  	s6 =	sld [smem:$0x3FB2]  }
0x2c: {  	s7 =	sld [smem:$0x3FB3]  }
0x2d: {  	s3 =	simm.s32 $0x108;
	s8 =	sld [smem:$0x3FB4]  }
0x2e: {  	s3 =	simm.s32 @!p0 $0x1082;
	s9 =	sld [smem:$0x3FB5]  }
0x2f: {  	lr =	sadd.s32 s0, s3;
	s0 =	sld [smem:$0x3FAC]  }
0x30: {  	s3 =	sld [smem:$0x3FAF]  }
0x31: {  	[smem:$0x3FB8] =	sst s10  }
0x32: {  	s10 =	sld [smem:$0x3FB6];
	_ =	sdelay $0x3  }
0x33: {  	p0 =	seq.s32 s10, $0x1;
	s10 =	sld [smem:$0x3FB8];
	_ =	sdelay $0x3  }
0x34: {  	[smem:$0x3FB8] =	sst s10  }
0x35: {  	s10 =	sld [smem:$0x3FB7];
	_ =	sdelay $0x3  }
0x36: {  	p1 =	seq.s32 s10, $0x1;
	s10 =	sld [smem:$0x3FB8];
	_ =	sdelay $0x3  }
0x37: {  	[smem:$0x3FB8] =	sst s10  }
0x38: {  	s10 =	sld [smem:$0x3FB9]  }
0x39: {  	_ = 	snop;
	(pc) =	sbr.ind lr, $3  }
0x3a: {  	_ = 	snop  }
0x3b: {  	_ = 	snop  }
0x3c: {  	p2 =	seq.s32 s10, $0x1;
	s10 =	sld [smem:$0x3FB8]  }
0x3d: {  	_ =	shalt  }
0x3e: {  	_ =	shalt  }
0x3f: {  	_ =	shalt  }
0x40: {  	_ =	shalt  }
0x41: {  	_ =	shalt  }
0x42: {  	_ =	shalt  }
0x43: {  	_ =	shalt  }
0x44: {  	_ =	shalt  }
0x45: {  	_ =	shalt  }
0x46: {  	_ =	shalt  }
0x47: {  	_ =	shalt  }
0x48: {  	_ =	shalt  }
0x49: {  	_ =	shalt  }
0x4a: {  	_ =	shalt  }
0x4b: {  	_ =	shalt  }
0x4c: {  	_ =	shalt  }
0x4d: {  	_ =	shalt  }
0x4e: {  	_ =	shalt  }
0x4f: {  	_ =	shalt  }
0x50: {  	_ =	shalt  }
0x51: {  	_ =	shalt  }
0x52: {  	_ =	shalt  }
0x53: {  	_ =	shalt  }
0x54: {  	_ =	shalt  }
0x55: {  	_ =	shalt  }
0x56: {  	_ =	shalt  }
0x57: {  	_ =	shalt  }
0x58: {  	_ =	shalt  }
0x59: {  	_ =	shalt  }
0x5a: {  	_ =	shalt  }
0x5b: {  	_ =	shalt  }
0x5c: {  	_ =	shalt  }
0x5d: {  	_ =	shalt  }
0x5e: {  	_ =	shalt  }
0x5f: {  	_ =	shalt  }
0x60: {  	_ =	shalt  }
0x61: {  	_ =	shalt  }
0x62: {  	_ =	shalt  }
0x63: {  	_ =	shalt  }
0x64: {  	_ =	shalt  }
0x65: {  	_ =	shalt  }
0x66: {  	_ =	shalt  }
0x67: {  	_ =	shalt  }
0x68: {  	_ =	shalt  }
0x69: {  	_ =	shalt  }
0x6a: {  	_ =	shalt  }
0x6b: {  	_ =	shalt  }
0x6c: {  	_ =	shalt  }
0x6d: {  	_ =	shalt  }
0x6e: {  	_ =	shalt  }
0x6f: {  	_ =	shalt  }
0x70: {  	_ =	shalt  }
0x71: {  	_ =	shalt  }
0x72: {  	_ =	shalt  }
0x73: {  	_ =	shalt  }
0x74: {  	_ =	shalt  }
0x75: {  	_ =	shalt  }
0x76: {  	_ =	shalt  }
0x77: {  	_ =	shalt  }
0x78: {  	_ =	shalt  }
0x79: {  	_ =	shalt  }
0x7a: {  	_ =	shalt  }
0x7b: {  	_ =	shalt  }
0x7c: {  	_ =	shalt  }
0x7d: {  	_ =	shalt  }
0x7e: {  	_ =	shalt  }
0x7f: {  	_ =	shalt  }
0x80: {  	_ =	shalt  }
0x81: {  	_ =	shalt  }
0x82: {  	_ =	shalt  }
0x83: {  	_ =	shalt  }
0x84: {  	_ =	shalt  }
0x85: {  	_ =	shalt  }
0x86: {  	_ =	shalt  }
0x87: {  	_ =	shalt  }
.Lfunc_end0:
.L_simem_size_0:
called_computation_lowered:
.L_overlay_start_0:
0x88: {  	s2 =	sld [smem:$0x3FD9]  }
0x89: {  	s3 =	sld [smem:$0x3FFE];
	_ =	sdelay $0x1  }
0x8a: {  	s1 =	srdreg.scid  }
0x8b: {  	s0 =	sand.u32 $0x1, s1  }
0x8c: {  	s16 =	sshll.u32 s0, $0xA;
	s2 =	sadd.s32 s3, s2  }
0x8d: {  	s2 =	sadd.s32 s2, s16  }
0x8e: {  	[smem:$0x3FC4] =	sst s2  }
0x8f: {  	_ = 	snop  }
0x90: {  	(tm) =	ssettm $0x1  }
0x91: {  	s17 =	sld [smem:$0x3FFB];
	_ =	sdelay $0x3  }
0x92: {  	_ =	strace s17  }
0x93: {  	s2 =	sld [smem:$0x3FFC];
	_ =	sdelay $0x3  }
0x94: {  	_ =	strace s2  }
0x95: {  	s2 =	sld [smem:$0x3FFD];
	_ =	sdelay $0x3  }
0x96: {  	_ =	strace s2  }
0x97: {  	_ =	strace $0x8FFFFFFF  }
0x98: {  	s18 =	sld [smem:$0x3FDB];
	_ =	sdelay $0x1  }
0x99: {  	s19 =	simm.s32 $_scs_section_size  }
0x9a: {  	s4 =	simm.s32 $_size__tile_overlayer_lowered;
	s5 =	simm.s32 $_tile_overlayer_lowered  }
0x9b: {  	s22 =	simm.s32 $0x1BFF;
	s21 =	sshll.u32 s5, $0x1;
	s2 =	sadd.s32 s19, s18  }
0x9c: {  	s6 =	simm.s32 $0x0;
	s20 =	sshll.u32 s4, $0x1;
	s4 =	sadd.s32 s21, s2  }
0x9d: {  	[timem:s6], [sflag:s22] =	dma.local [hbm:s4], s20  }
0x9e: {  	_ =	swait.ge [sflag:s22], s20  }
0x9f: {  	s3 =	ssub.s32 $0x0, s20;
	[sflag:s22] =	ssyncset.done $0x0  }
0xa0: {  	[sflag:s22] =	ssyncadd.s32 s3;
	_ =	sdelay $0x1  }
0xa1: {  	s23 =	simm.s32 $0x1B8B  }
0xa2: {  	_ =	swait.ge [sflag:s23], $0x1  }
0xa3: {  	[sflag:s23] =	ssyncset.done $0x0  }
0xa4: {  	s25 =	simm.s32 $0x1B8E;
	s24 =	sld [smem:$0x3FFE];
	[sflag:s23] =	ssyncadd.s32 $0xFFFFFFFF  }
0xa5: {  	s26 =	simm.s32 $execute0_lowered;
	[smem:$0x3FD2] =	sst s25  }
0xa6: {  	s4 =	sshll.u32 s26, $0x1;
	_ =	strace $0x80000046;
	[dreg:$0x1] =	wrdreg $0xFFFFFFFF  }
0xa7: {  	s28 =	simm.s32 $_size_execute0_lowered;
	s2 =	sadd.s32 s2, s4;
	[dreg:$0x0] =	wrdreg $0x0  }
0xa8: {  	s4 =	sshll.u32 s28, $0x1;
	[dreg:$0x2] =	wrdreg s2  }
0xa9: {  	[dreg:$0x3] =	wrdreg s4  }
0xaa: {  	[dreg:$0x4] =	wrdreg $0xC0  }
0xab: {  	_ =	task [dreg:s6], $0x5FFFF  }
0xac: {  	[dreg:$0x1] =	wrdreg $0xFFFFFFFF  }
0xad: {  	[dreg:$0x0] =	wrdreg $0x60  }
0xae: {  	[dreg:$0x2] =	wrdreg s24  }
0xaf: {  	[dreg:$0x3] =	wrdreg $0x9  }
0xb0: {  	_ =	task.clear_ibuf [dreg:s6], $0x4FFFF;
	_ =	strace $0x90000046  }
0xb1: {  	s29 =	simm.s32 $0x9;
	_ =	strace $0x80000048  }
0xb2: {  	_ =	swait.ge [sflag:s29], $0x1  }
0xb3: {  	[sflag:s29] =	ssyncadd.s32 $0xFFFFFFFF  }
0xb4: {  	_ =	strace $0x90000048  }
0xb5: {  	_ =	sfence  }
0xb6: {  	s30 =	sld [smem:$0x0];
	_ =	sdelay $0x2  }
0xb7: {  	s31 =	sshll.u32 s1, $0xD;
	s1 =	sshrl.u32 s1, $0x2  }
0xb8: {  	s3 =	sand.u32 $0x4000, s31;
	s1 =	sadd.s32 s1, s30  }
0xb9: {  	s0 =	sor.u32 s3, s0;
	s1 =	sshll.u32 s1, $0x11  }
0xba: {  	s0 =	sor.u32 s1, s0  }
0xbb: {  	s0 =	sadd.s32 $0x8F2B, s0  }
0xbc: {  	[sflag:s0] =	ssyncadd.remote.s32 $0x1  }
0xbd: {  	_ =	sfence.sel $0xFFFF  }
0xbe: {  	[dreg:$0x0] =	wrdreg $0xFFFFFFFF;
	(pc) =	sbr.abs _section_cstart, $3  }
0xbf: {  	[dreg:$0x1] =	wrdreg $0xFFFFFFFF  }
0xc0: {  	_ =	task.clear_ibuf [dreg:s6], $0x2FFFF;
	_ =	strace $0x9FFFFFFF  }
0xc1: {  	(tm) =	ssettm $0x7FFFFFFF  }
tec
execute0_lowered:
.L_overlay_start_1:
0x0: {  	(tag) =	ssettag $0x1  }
0x1: {  	s5 =	rddreg [dreg:$0x0]  }
0x2: {  	s0 =	rddreg [dreg:$0x1]  }
0x3: {  	s2 =	simm.s32 $0x0;
	s3 =	srdreg.scid;
	s1 =	stileid.u32  }
0x4: {  	s10 =	simm.s32 $0x80;
	s11 =	simm.s32 $0x280;
	s12 =	simm.s32 $0x2280  }
0x5: {  	s13 =	simm.s32 $0x100;
	s14 =	simm.s32 $0x4280;
	s15 =	simm.s32 $0x180  }
0x6: {  	s16 =	simm.s32 $0x6280;
	s17 =	simm.s32 $0x200;
	s18 =	simm.s32 $0x8280  }
0x7: {  	s19 =	simm.s32 $0x1;
	s20 =	simm.s32 $0xA280;
	s21 =	simm.s32 $0x0  }
0x8: {  	[smem:$0x7FF] =	sst s2;
	s6 =	sand.u32 $0x1, s3;
	s3 =	sadd.s32 $0x200, s5  }
0x9: {  	s8 =	sshll.u32 s1, $0x1;
	s4 =	sadd.s32 $0xCA00, s5;
	s7 =	ssub.s32 $0x2, s6  }
0xa: {  	s5 =	sadd.s32 $0x7ADC00, s5;
	s8 =	sor.u32 s6, s8;
	s9 =	sshrl.u32 s7, $0x1  }
0xb: {  	_ =	strace $0x80000047;
	s6 =	smul.u32 $0x64, s8;
	s9 =	ssub.s32 s7, s9  }
0xc: {  	s7 =	smul.u32 $0xA000, s8;
	s8 =	smax.u32 s9, $0x1;
	s9 =	simm.s32 $0x2  }
.LBB2_1:
0xd: {  	s22 =	simm.s32 $0x0  }
.LBB2_2:
0xe: {  	s23 =	smul.u32 $0x5, s22;
	_ =	sdelay $0x1  }
0xf: {  	s23 =	sadd.s32 s6, s23  }
0x10: {  	s23 =	sshll.u32 s23, $0x4  }
0x11: {  	s24 =	simm.s32 $0x0;
	s23 =	sadd.s32 s3, s23  }
0x12: {  	[tilespmem:s24], [sflag:$0x2] =	stream.linear.gather [hbm4b:s23+s24], $0x280, $0x38;
	[tilespmem:$0xAA80] =	vst v63  }
0x13: {  	_ =	swait.ge [sflag:s9], $0x280  }
0x14: {  	[sflag:s9] =	ssyncset.done $0x0  }
0x15: {  	[sflag:s9] =	ssyncadd.s32 $0xFFFFFD80  }
0x16: {  	[tilespmem:s11], [sflag:$0x1] =	stream.indirect.gather [hbm4b:s4+s10], $0x40, s24, s10, $0xb8;
	[tilespmem:$0xAA80] =	vst v63  }
0x17: {  	_ = 	snop  }
0x18: {  	[tilespmem:s12], [sflag:$0x1] =	stream.indirect.gather [hbm4b:s4+s10], $0x40, s10, s10, $0xb8;
	[tilespmem:$0xAA80] =	vst v63  }
0x19: {  	_ = 	snop  }
0x1a: {  	[tilespmem:s14], [sflag:$0x1] =	stream.indirect.gather [hbm4b:s4+s10], $0x40, s13, s10, $0xb8;
	[tilespmem:$0xAA80] =	vst v63  }
0x1b: {  	_ = 	snop  }
0x1c: {  	[tilespmem:s16], [sflag:$0x1] =	stream.indirect.gather [hbm4b:s4+s10], $0x40, s15, s10, $0xb8;
	[tilespmem:$0xAA80] =	vst v63  }
0x1d: {  	_ = 	snop  }
0x1e: {  	[tilespmem:s18], [sflag:$0x1] =	stream.indirect.gather [hbm4b:s4+s10], $0x40, s17, s10, $0xb8;
	[tilespmem:$0xAA80] =	vst v63  }
0x1f: {  	_ =	swait.ge [sflag:s19], $0x2000  }
0x20: {  	[sflag:s19] =	ssyncset.done $0x0  }
0x21: {  	[sflag:s19] =	ssyncadd.s32 $0xFFFFE000  }
0x22: {  	_ =	swait.ge [sflag:s19], $0x2000  }
0x23: {  	[sflag:s19] =	ssyncset.done $0x0  }
0x24: {  	[sflag:s19] =	ssyncadd.s32 $0xFFFFE000  }
0x25: {  	_ =	swait.ge [sflag:s19], $0x2000  }
0x26: {  	[sflag:s19] =	ssyncset.done $0x0  }
0x27: {  	[sflag:s19] =	ssyncadd.s32 $0xFFFFE000  }
0x28: {  	_ =	swait.ge [sflag:s19], $0x2000  }
0x29: {  	[sflag:s19] =	ssyncset.done $0x0  }
0x2a: {  	[sflag:s19] =	ssyncadd.s32 $0xFFFFE000  }
0x2b: {  	_ =	swait.ge [sflag:s19], $0x2000  }
0x2c: {  	[sflag:s19] =	ssyncset.done $0x0  }
0x2d: {  	s23 =	simm.s32 $0x500;
	[sflag:s19] =	ssyncadd.s32 $0xFFFFE000  }
0x2e: {  	v0 =	vld [tilespmem:s23+$0xFFFFFDC0]  }
0x2f: {  	v1 =	vld [tilespmem:s23+$0xFFFFFD80];
	_ =	sdelay $0x1  }
0x30: {  	v2 =	vld [tilespmem:s23+$0xFFFFFE00];
	_ =	sdelay $0x1  }
0x31: {  	v3 =	vld [tilespmem:s23+$0xFFFFFE40]  }
0x32: {  	v0 =	vadd.f32 v0, v1  }
0x33: {  	v1 =	vld [tilespmem:s23+$0xFFFFFE80]  }
0x34: {  	v0 =	vadd.f32 v2, v0  }
0x35: {  	v2 =	vld [tilespmem:s23+$0xFFFFFEC0]  }
0x36: {  	v0 =	vadd.f32 v3, v0  }
0x37: {  	v3 =	vld [tilespmem:s23+$0xFFFFFF00]  }
0x38: {  	v0 =	vadd.f32 v1, v0  }
0x39: {  	v1 =	vld [tilespmem:s23+$0xFFFFFF40]  }
0x3a: {  	v0 =	vadd.f32 v2, v0  }
0x3b: {  	v2 =	vld [tilespmem:s23+$0xFFFFFF80]  }
0x3c: {  	v0 =	vadd.f32 v3, v0  }
0x3d: {  	v3 =	vld [tilespmem:s23+$0xFFFFFFC0]  }
0x3e: {  	v0 =	vadd.f32 v1, v0  }
0x3f: {  	v1 =	vld [tilespmem:s23+$0x0]  }
0x40: {  	v0 =	vadd.f32 v2, v0  }
0x41: {  	v2 =	vld [tilespmem:s23+$0x40]  }
0x42: {  	v0 =	vadd.f32 v3, v0  }
0x43: {  	v3 =	vld [tilespmem:s23+$0x80]  }
0x44: {  	v0 =	vadd.f32 v1, v0  }
0x45: {  	v1 =	vld [tilespmem:s23+$0xC0]  }
0x46: {  	v0 =	vadd.f32 v2, v0  }
0x47: {  	v2 =	vld [tilespmem:s23+$0x100]  }
0x48: {  	v0 =	vadd.f32 v3, v0  }
0x49: {  	v3 =	vld [tilespmem:s23+$0x140]  }
0x4a: {  	v0 =	vadd.f32 v1, v0  }
0x4b: {  	v1 =	vld [tilespmem:s23+$0x180]  }
0x4c: {  	v0 =	vadd.f32 v2, v0  }
0x4d: {  	v2 =	vld [tilespmem:s23+$0x1C0]  }
0x4e: {  	v0 =	vadd.f32 v3, v0  }
0x4f: {  	v3 =	vld [tilespmem:s23+$0x200]  }
0x50: {  	v0 =	vadd.f32 v1, v0  }
0x51: {  	v1 =	vld [tilespmem:s23+$0x240]  }
0x52: {  	v0 =	vadd.f32 v2, v0;
	_ =	sdelay $0x1  }
0x53: {  	v0 =	vadd.f32 v3, v0;
	_ =	sdelay $0x1  }
0x54: {  	v0 =	vadd.f32 v1, v0  }
0x55: {  	s24 =	simm.s32 $0x0  }
0x56: {  	[tilespmem:s24+$0xA280] =	vst v0  }
0x57: {  	v0 =	vld [tilespmem:s23+$0xFFFFFD90]  }
0x58: {  	v1 =	vld [tilespmem:s23+$0xFFFFFDD0];
	_ =	sdelay $0x1  }
0x59: {  	v2 =	vld [tilespmem:s23+$0xFFFFFE10];
	_ =	sdelay $0x1  }
0x5a: {  	v3 =	vld [tilespmem:s23+$0xFFFFFE50]  }
0x5b: {  	v0 =	vadd.f32 v1, v0  }
0x5c: {  	v1 =	vld [tilespmem:s23+$0xFFFFFE90]  }
0x5d: {  	v0 =	vadd.f32 v2, v0  }
0x5e: {  	v2 =	vld [tilespmem:s23+$0xFFFFFED0]  }
0x5f: {  	v0 =	vadd.f32 v3, v0  }
0x60: {  	v3 =	vld [tilespmem:s23+$0xFFFFFF10]  }
0x61: {  	v0 =	vadd.f32 v1, v0  }
0x62: {  	v1 =	vld [tilespmem:s23+$0xFFFFFF50]  }
0x63: {  	v0 =	vadd.f32 v2, v0  }
0x64: {  	v2 =	vld [tilespmem:s23+$0xFFFFFF90]  }
0x65: {  	v0 =	vadd.f32 v3, v0  }
0x66: {  	v3 =	vld [tilespmem:s23+$0xFFFFFFD0]  }
0x67: {  	v0 =	vadd.f32 v1, v0  }
0x68: {  	v1 =	vld [tilespmem:s23+$0x10]  }
0x69: {  	v0 =	vadd.f32 v2, v0  }
0x6a: {  	v2 =	vld [tilespmem:s23+$0x50]  }
0x6b: {  	v0 =	vadd.f32 v3, v0  }
0x6c: {  	v3 =	vld [tilespmem:s23+$0x90]  }
0x6d: {  	v0 =	vadd.f32 v1, v0  }
0x6e: {  	v1 =	vld [tilespmem:s23+$0xD0]  }
0x6f: {  	v0 =	vadd.f32 v2, v0  }
0x70: {  	v2 =	vld [tilespmem:s23+$0x110]  }
0x71: {  	v0 =	vadd.f32 v3, v0  }
0x72: {  	v3 =	vld [tilespmem:s23+$0x150]  }
0x73: {  	v0 =	vadd.f32 v1, v0  }
0x74: {  	v1 =	vld [tilespmem:s23+$0x190]  }
0x75: {  	v0 =	vadd.f32 v2, v0  }
0x76: {  	v2 =	vld [tilespmem:s23+$0x1D0]  }
0x77: {  	v0 =	vadd.f32 v3, v0  }
0x78: {  	v3 =	vld [tilespmem:s23+$0x210]  }
0x79: {  	v0 =	vadd.f32 v1, v0  }
0x7a: {  	v1 =	vld [tilespmem:s23+$0x250]  }
0x7b: {  	v0 =	vadd.f32 v2, v0;
	_ =	sdelay $0x1  }
0x7c: {  	v0 =	vadd.f32 v3, v0;
	_ =	sdelay $0x1  }
0x7d: {  	v0 =	vadd.f32 v1, v0;
	_ =	sdelay $0x1  }
0x7e: {  	[tilespmem:s24+$0xA290] =	vst v0  }
0x7f: {  	v0 =	vld [tilespmem:s23+$0xFFFFFDA0]  }
0x80: {  	v1 =	vld [tilespmem:s23+$0xFFFFFDE0];
	_ =	sdelay $0x1  }
0x81: {  	v2 =	vld [tilespmem:s23+$0xFFFFFE20];
	_ =	sdelay $0x1  }
0x82: {  	v3 =	vld [tilespmem:s23+$0xFFFFFE60]  }
0x83: {  	v0 =	vadd.f32 v1, v0  }
0x84: {  	v1 =	vld [tilespmem:s23+$0xFFFFFEA0]  }
0x85: {  	v0 =	vadd.f32 v2, v0  }
0x86: {  	v2 =	vld [tilespmem:s23+$0xFFFFFEE0]  }
0x87: {  	v0 =	vadd.f32 v3, v0  }
0x88: {  	v3 =	vld [tilespmem:s23+$0xFFFFFF20]  }
0x89: {  	v0 =	vadd.f32 v1, v0  }
0x8a: {  	v1 =	vld [tilespmem:s23+$0xFFFFFF60]  }
0x8b: {  	v0 =	vadd.f32 v2, v0  }
0x8c: {  	v2 =	vld [tilespmem:s23+$0xFFFFFFA0]  }
0x8d: {  	v0 =	vadd.f32 v3, v0  }
0x8e: {  	v3 =	vld [tilespmem:s23+$0xFFFFFFE0]  }
0x8f: {  	v0 =	vadd.f32 v1, v0  }
0x90: {  	v1 =	vld [tilespmem:s23+$0x20]  }
0x91: {  	v0 =	vadd.f32 v2, v0  }
0x92: {  	v2 =	vld [tilespmem:s23+$0x60]  }
0x93: {  	v0 =	vadd.f32 v3, v0  }
0x94: {  	v3 =	vld [tilespmem:s23+$0xA0]  }
0x95: {  	v0 =	vadd.f32 v1, v0  }
0x96: {  	v1 =	vld [tilespmem:s23+$0xE0]  }
0x97: {  	v0 =	vadd.f32 v2, v0  }
0x98: {  	v2 =	vld [tilespmem:s23+$0x120]  }
0x99: {  	v0 =	vadd.f32 v3, v0  }
0x9a: {  	v3 =	vld [tilespmem:s23+$0x160]  }
0x9b: {  	v0 =	vadd.f32 v1, v0  }
0x9c: {  	v1 =	vld [tilespmem:s23+$0x1A0]  }
0x9d: {  	v0 =	vadd.f32 v2, v0  }
0x9e: {  	v2 =	vld [tilespmem:s23+$0x1E0]  }
0x9f: {  	v0 =	vadd.f32 v3, v0  }
0xa0: {  	v3 =	vld [tilespmem:s23+$0x220]  }
0xa1: {  	v0 =	vadd.f32 v1, v0  }
0xa2: {  	v1 =	vld [tilespmem:s23+$0x260]  }
0xa3: {  	v0 =	vadd.f32 v2, v0;
	_ =	sdelay $0x1  }
0xa4: {  	v0 =	vadd.f32 v3, v0;
	_ =	sdelay $0x1  }
0xa5: {  	v0 =	vadd.f32 v1, v0;
	_ =	sdelay $0x1  }
0xa6: {  	[tilespmem:s24+$0xA2A0] =	vst v0  }
0xa7: {  	v0 =	vld [tilespmem:s23+$0xFFFFFDB0]  }
0xa8: {  	v1 =	vld [tilespmem:s23+$0xFFFFFDF0];
	_ =	sdelay $0x1  }
0xa9: {  	v2 =	vld [tilespmem:s23+$0xFFFFFE30];
	_ =	sdelay $0x1  }
0xaa: {  	v3 =	vld [tilespmem:s23+$0xFFFFFE70]  }
0xab: {  	v0 =	vadd.f32 v1, v0  }
0xac: {  	v1 =	vld [tilespmem:s23+$0xFFFFFEB0]  }
0xad: {  	v0 =	vadd.f32 v2, v0  }
0xae: {  	v2 =	vld [tilespmem:s23+$0xFFFFFEF0]  }
0xaf: {  	v0 =	vadd.f32 v3, v0  }
0xb0: {  	v3 =	vld [tilespmem:s23+$0xFFFFFF30]  }
0xb1: {  	v0 =	vadd.f32 v1, v0  }
0xb2: {  	v1 =	vld [tilespmem:s23+$0xFFFFFF70]  }
0xb3: {  	v0 =	vadd.f32 v2, v0  }
0xb4: {  	v2 =	vld [tilespmem:s23+$0xFFFFFFB0]  }
0xb5: {  	v0 =	vadd.f32 v3, v0  }
0xb6: {  	v3 =	vld [tilespmem:s23+$0xFFFFFFF0]  }
0xb7: {  	v0 =	vadd.f32 v1, v0  }
0xb8: {  	v1 =	vld [tilespmem:s23+$0x30]  }
0xb9: {  	v0 =	vadd.f32 v2, v0  }
0xba: {  	v2 =	vld [tilespmem:s23+$0x70]  }
0xbb: {  	v0 =	vadd.f32 v3, v0  }
0xbc: {  	v3 =	vld [tilespmem:s23+$0xB0]  }
0xbd: {  	v0 =	vadd.f32 v1, v0  }
0xbe: {  	v1 =	vld [tilespmem:s23+$0xF0]  }
0xbf: {  	v0 =	vadd.f32 v2, v0  }
0xc0: {  	v2 =	vld [tilespmem:s23+$0x130]  }
0xc1: {  	v0 =	vadd.f32 v3, v0  }
0xc2: {  	v3 =	vld [tilespmem:s23+$0x170]  }
0xc3: {  	v0 =	vadd.f32 v1, v0  }
0xc4: {  	v1 =	vld [tilespmem:s23+$0x1B0]  }
0xc5: {  	v0 =	vadd.f32 v2, v0;
	_ =	sdelay $0x1  }
0xc6: {  	v2 =	vld [tilespmem:s23+$0x1F0];
	v0 =	vadd.f32 v3, v0;
	_ =	sdelay $0x1  }
0xc7: {  	v3 =	vadd.f32 v1, v0;
	v1 =	vld [tilespmem:s23+$0x230];
	_ =	sdelay $0x1  }
0xc8: {  	v0 =	vld [tilespmem:s23+$0x270]  }
0xc9: {  	s25 =	simm.s32 $0x100;
	v2 =	vadd.f32 v2, v3  }
.LBB2_3:
0xca: {  	p0 =	sne.s32 s25, $0x1F00  }
0xcb: {  	s23 =	sadd.s32 $0x500, s23;
	s26 =	smov.u32 s25;
	s25 =	sadd.s32 $0x100, s25;
	v1 =	vadd.f32 v1, v2  }
0xcc: {  	_ = 	snop  }
0xcd: {  	v0 =	vadd.f32 v0, v1;
	_ =	sdelay $0x1  }
0xce: {  	[tilespmem:s24+$0xA2B0] =	vst v0  }
0xcf: {  	v0 =	vld [tilespmem:s23+$0xFFFFFDC0]  }
0xd0: {  	v1 =	vld [tilespmem:s23+$0xFFFFFD80];
	_ =	sdelay $0x1  }
0xd1: {  	v2 =	vld [tilespmem:s23+$0xFFFFFE00];
	_ =	sdelay $0x1  }
0xd2: {  	v3 =	vld [tilespmem:s23+$0xFFFFFE40]  }
0xd3: {  	v0 =	vadd.f32 v0, v1  }
0xd4: {  	v1 =	vld [tilespmem:s23+$0xFFFFFE80]  }
0xd5: {  	v0 =	vadd.f32 v2, v0  }
0xd6: {  	v2 =	vld [tilespmem:s23+$0xFFFFFEC0]  }
0xd7: {  	v0 =	vadd.f32 v3, v0  }
0xd8: {  	v3 =	vld [tilespmem:s23+$0xFFFFFF00]  }
0xd9: {  	v0 =	vadd.f32 v1, v0  }
0xda: {  	v1 =	vld [tilespmem:s23+$0xFFFFFF40]  }
0xdb: {  	v0 =	vadd.f32 v2, v0  }
0xdc: {  	v2 =	vld [tilespmem:s23+$0xFFFFFF80]  }
0xdd: {  	v0 =	vadd.f32 v3, v0  }
0xde: {  	v3 =	vld [tilespmem:s23+$0xFFFFFFC0]  }
0xdf: {  	v0 =	vadd.f32 v1, v0  }
0xe0: {  	v1 =	vld [tilespmem:s23+$0x0]  }
0xe1: {  	v0 =	vadd.f32 v2, v0  }
0xe2: {  	v2 =	vld [tilespmem:s23+$0x40]  }
0xe3: {  	v0 =	vadd.f32 v3, v0  }
0xe4: {  	v3 =	vld [tilespmem:s23+$0x80]  }
0xe5: {  	v0 =	vadd.f32 v1, v0  }
0xe6: {  	v1 =	vld [tilespmem:s23+$0xC0]  }
0xe7: {  	v0 =	vadd.f32 v2, v0  }
0xe8: {  	v2 =	vld [tilespmem:s23+$0x100]  }
0xe9: {  	v0 =	vadd.f32 v3, v0  }
0xea: {  	v3 =	vld [tilespmem:s23+$0x140]  }
0xeb: {  	v0 =	vadd.f32 v1, v0  }
0xec: {  	v1 =	vld [tilespmem:s23+$0x180]  }
0xed: {  	v0 =	vadd.f32 v2, v0  }
0xee: {  	v2 =	vld [tilespmem:s23+$0x1C0]  }
0xef: {  	v0 =	vadd.f32 v3, v0  }
0xf0: {  	v3 =	vld [tilespmem:s23+$0x200]  }
0xf1: {  	v0 =	vadd.f32 v1, v0  }
0xf2: {  	v1 =	vld [tilespmem:s23+$0x240]  }
0xf3: {  	v0 =	vadd.f32 v2, v0;
	_ =	sdelay $0x1  }
0xf4: {  	v0 =	vadd.f32 v3, v0;
	_ =	sdelay $0x1  }
0xf5: {  	v0 =	vadd.f32 v1, v0  }
0xf6: {  	s24 =	sshra.s32 s26, $0x2  }
0xf7: {  	[tilespmem:s24+$0xA280] =	vst v0  }
0xf8: {  	v0 =	vld [tilespmem:s23+$0xFFFFFD90]  }
0xf9: {  	v1 =	vld [tilespmem:s23+$0xFFFFFDD0];
	_ =	sdelay $0x1  }
0xfa: {  	v2 =	vld [tilespmem:s23+$0xFFFFFE10];
	_ =	sdelay $0x1  }
0xfb: {  	v3 =	vld [tilespmem:s23+$0xFFFFFE50]  }
0xfc: {  	v0 =	vadd.f32 v1, v0  }
0xfd: {  	v1 =	vld [tilespmem:s23+$0xFFFFFE90]  }
0xfe: {  	v0 =	vadd.f32 v2, v0  }
0xff: {  	v2 =	vld [tilespmem:s23+$0xFFFFFED0]  }
0x100: {  	v0 =	vadd.f32 v3, v0  }
0x101: {  	v3 =	vld [tilespmem:s23+$0xFFFFFF10]  }
0x102: {  	v0 =	vadd.f32 v1, v0  }
0x103: {  	v1 =	vld [tilespmem:s23+$0xFFFFFF50]  }
0x104: {  	v0 =	vadd.f32 v2, v0  }
0x105: {  	v2 =	vld [tilespmem:s23+$0xFFFFFF90]  }
0x106: {  	v0 =	vadd.f32 v3, v0  }
0x107: {  	v3 =	vld [tilespmem:s23+$0xFFFFFFD0]  }
0x108: {  	v0 =	vadd.f32 v1, v0  }
0x109: {  	v1 =	vld [tilespmem:s23+$0x10]  }
0x10a: {  	v0 =	vadd.f32 v2, v0  }
0x10b: {  	v2 =	vld [tilespmem:s23+$0x50]  }
0x10c: {  	v0 =	vadd.f32 v3, v0  }
0x10d: {  	v3 =	vld [tilespmem:s23+$0x90]  }
0x10e: {  	v0 =	vadd.f32 v1, v0  }
0x10f: {  	v1 =	vld [tilespmem:s23+$0xD0]  }
0x110: {  	v0 =	vadd.f32 v2, v0  }
0x111: {  	v2 =	vld [tilespmem:s23+$0x110]  }
0x112: {  	v0 =	vadd.f32 v3, v0  }
0x113: {  	v3 =	vld [tilespmem:s23+$0x150]  }
0x114: {  	v0 =	vadd.f32 v1, v0  }
0x115: {  	v1 =	vld [tilespmem:s23+$0x190]  }
0x116: {  	v0 =	vadd.f32 v2, v0  }
0x117: {  	v2 =	vld [tilespmem:s23+$0x1D0]  }
0x118: {  	v0 =	vadd.f32 v3, v0  }
0x119: {  	v3 =	vld [tilespmem:s23+$0x210]  }
0x11a: {  	v0 =	vadd.f32 v1, v0  }
0x11b: {  	v1 =	vld [tilespmem:s23+$0x250]  }
0x11c: {  	v0 =	vadd.f32 v2, v0;
	_ =	sdelay $0x1  }
0x11d: {  	v0 =	vadd.f32 v3, v0;
	_ =	sdelay $0x1  }
0x11e: {  	v0 =	vadd.f32 v1, v0;
	_ =	sdelay $0x1  }
0x11f: {  	[tilespmem:s24+$0xA290] =	vst v0  }
0x120: {  	v0 =	vld [tilespmem:s23+$0xFFFFFDA0]  }
0x121: {  	v1 =	vld [tilespmem:s23+$0xFFFFFDE0];
	_ =	sdelay $0x1  }
0x122: {  	v2 =	vld [tilespmem:s23+$0xFFFFFE20];
	_ =	sdelay $0x1  }
0x123: {  	v3 =	vld [tilespmem:s23+$0xFFFFFE60]  }
0x124: {  	v0 =	vadd.f32 v1, v0  }
0x125: {  	v1 =	vld [tilespmem:s23+$0xFFFFFEA0]  }
0x126: {  	v0 =	vadd.f32 v2, v0  }
0x127: {  	v2 =	vld [tilespmem:s23+$0xFFFFFEE0]  }
0x128: {  	v0 =	vadd.f32 v3, v0  }
0x129: {  	v3 =	vld [tilespmem:s23+$0xFFFFFF20]  }
0x12a: {  	v0 =	vadd.f32 v1, v0  }
0x12b: {  	v1 =	vld [tilespmem:s23+$0xFFFFFF60]  }
0x12c: {  	v0 =	vadd.f32 v2, v0  }
0x12d: {  	v2 =	vld [tilespmem:s23+$0xFFFFFFA0]  }
0x12e: {  	v0 =	vadd.f32 v3, v0  }
0x12f: {  	v3 =	vld [tilespmem:s23+$0xFFFFFFE0]  }
0x130: {  	v0 =	vadd.f32 v1, v0  }
0x131: {  	v1 =	vld [tilespmem:s23+$0x20]  }
0x132: {  	v0 =	vadd.f32 v2, v0  }
0x133: {  	v2 =	vld [tilespmem:s23+$0x60]  }
0x134: {  	v0 =	vadd.f32 v3, v0  }
0x135: {  	v3 =	vld [tilespmem:s23+$0xA0]  }
0x136: {  	v0 =	vadd.f32 v1, v0  }
0x137: {  	v1 =	vld [tilespmem:s23+$0xE0]  }
0x138: {  	v0 =	vadd.f32 v2, v0  }
0x139: {  	v2 =	vld [tilespmem:s23+$0x120]  }
0x13a: {  	v0 =	vadd.f32 v3, v0  }
0x13b: {  	v3 =	vld [tilespmem:s23+$0x160]  }
0x13c: {  	v0 =	vadd.f32 v1, v0  }
0x13d: {  	v1 =	vld [tilespmem:s23+$0x1A0]  }
0x13e: {  	v0 =	vadd.f32 v2, v0  }
0x13f: {  	v2 =	vld [tilespmem:s23+$0x1E0]  }
0x140: {  	v0 =	vadd.f32 v3, v0  }
0x141: {  	v3 =	vld [tilespmem:s23+$0x220]  }
0x142: {  	v0 =	vadd.f32 v1, v0  }
0x143: {  	v1 =	vld [tilespmem:s23+$0x260]  }
0x144: {  	v0 =	vadd.f32 v2, v0;
	_ =	sdelay $0x1  }
0x145: {  	v0 =	vadd.f32 v3, v0;
	_ =	sdelay $0x1  }
0x146: {  	v0 =	vadd.f32 v1, v0;
	_ =	sdelay $0x1  }
0x147: {  	[tilespmem:s24+$0xA2A0] =	vst v0  }
0x148: {  	v0 =	vld [tilespmem:s23+$0xFFFFFDB0]  }
0x149: {  	v1 =	vld [tilespmem:s23+$0xFFFFFDF0]  }
0x14a: {  	v2 =	vld [tilespmem:s23+$0xFFFFFE30]  }
0x14b: {  	v3 =	vld [tilespmem:s23+$0xFFFFFE70]  }
0x14c: {  	v4 =	vld [tilespmem:s23+$0xFFFFFEB0]  }
0x14d: {  	v5 =	vld [tilespmem:s23+$0xFFFFFEF0]  }
0x14e: {  	v0 =	vadd.f32 v1, v0;
	v1 =	vld [tilespmem:s23+$0xFFFFFF30]  }
0x14f: {  	v6 =	vld [tilespmem:s23+$0xFFFFFF70]  }
0x150: {  	v0 =	vadd.f32 v2, v0;
	v2 =	vld [tilespmem:s23+$0xFFFFFFB0]  }
0x151: {  	v7 =	vld [tilespmem:s23+$0xFFFFFFF0]  }
0x152: {  	v0 =	vadd.f32 v3, v0;
	v3 =	vld [tilespmem:s23+$0x30]  }
0x153: {  	v8 =	vld [tilespmem:s23+$0x70]  }
0x154: {  	v0 =	vadd.f32 v4, v0;
	v4 =	vld [tilespmem:s23+$0xB0]  }
0x155: {  	v9 =	vld [tilespmem:s23+$0xF0]  }
0x156: {  	v0 =	vadd.f32 v5, v0;
	v5 =	vld [tilespmem:s23+$0x130]  }
0x157: {  	v10 =	vld [tilespmem:s23+$0x170]  }
0x158: {  	v0 =	vadd.f32 v1, v0;
	v11 =	vld [tilespmem:s23+$0x1B0]  }
0x159: {  	v12 =	vld [tilespmem:s23+$0x1F0]  }
0x15a: {  	v6 =	vadd.f32 v6, v0;
	v1 =	vld [tilespmem:s23+$0x230]  }
0x15b: {  	v0 =	vld [tilespmem:s23+$0x270]  }
0x15c: {  	v2 =	vadd.f32 v2, v6;
	_ =	sdelay $0x1  }
0x15d: {  	v2 =	vadd.f32 v7, v2;
	_ =	sdelay $0x1  }
0x15e: {  	v2 =	vadd.f32 v3, v2;
	_ =	sdelay $0x1  }
0x15f: {  	v2 =	vadd.f32 v8, v2;
	_ =	sdelay $0x1  }
0x160: {  	v2 =	vadd.f32 v4, v2;
	_ =	sdelay $0x1  }
0x161: {  	v2 =	vadd.f32 v9, v2;
	_ =	sdelay $0x1  }
0x162: {  	v2 =	vadd.f32 v5, v2;
	_ =	sdelay $0x1  }
.Ltmp0:
0x163: {  	v2 =	vadd.f32 v10, v2;
	(pc) =	sbr.rel @p0 .LBB2_3-.Ltmp0, $3  }
0x164: {  	_ = 	snop  }
0x165: {  	v2 =	vadd.f32 v11, v2;
	_ =	sdelay $0x1  }
0x166: {  	v2 =	vadd.f32 v12, v2  }
0x167: {  	_ = 	snop  }
0x168: {  	v1 =	vadd.f32 v1, v2  }
0x169: {  	s23 =	sshll.u32 s22, $0xB  }
0x16a: {  	s22 =	sadd.s32 $0x1, s22;
	s23 =	sadd.s32 s7, s23;
	v0 =	vadd.f32 v0, v1  }
0x16b: {  	p0 =	sne.s32 s22, $0x14;
	s23 =	sshrl.u32 s23, $0x3  }
.Ltmp1:
0x16c: {  	s23 =	sadd.s32 s5, s23;
	[tilespmem:s24+$0xA2B0] =	vst v0;
	(pc) =	sbr.rel @p0 .LBB2_2-.Ltmp1, $4  }
0x16d: {  	[hbm4b:s23+s2] =	stream.linear.scatter [tilespmem:s20], [sflag:$0x2], $0x800, $0x38;
	[tilespmem:$0xAA80] =	vst v63  }
0x16e: {  	_ =	swait.ge [sflag:s9], $0x800  }
0x16f: {  	[sflag:s9] =	ssyncset.done $0x0  }
0x170: {  	[sflag:s9] =	ssyncadd.s32 $0xFFFFF800  }
0x171: {  	s21 =	sadd.s32 $0x1, s21  }
0x172: {  	p0 =	sne.s32 s21, s8  }
.Ltmp2:
0x173: {  	_ = 	snop;
	(pc) =	sbr.rel @p0 .LBB2_1-.Ltmp2, $1  }
0x174: {  	_ =	sdelay $0x3  }
0x175: {  	_ =	sfence.sel $0x180000  }
0x176: {  	[bflag:$0x0] =	sbarrier.arrive $0xFFFF  }
0x177: {  	p0 =	sne.s32 s1, $0x0;
	_ =	strace $0x90000047  }
0x178: {  	s0 =	sadd.s32 @!p0 $0x100000, s0;
	[bflag:$0x2] =	sbarrier.arrive $0xFFFF  }
0x179: {  	[sflag:s0] =	ssyncadd.tile.s32 @!p0 $0x1;
	_ =	shalt  }
.Lfunc_end2:
_tile_overlayer_lowered:
.L_overlay_start_2:
0x17a: {  	(tag) =	ssettag $0x2  }
0x17b: {  	s0 =	rddreg [dreg:$0x0];
	s2 =	stileid.u32  }
0x17c: {  	s1 =	rddreg [dreg:$0x1];
	p0 =	sne.s32 s2, $0x0  }
0x17d: {  	s3 =	rddreg [dreg:$0x2];
	[bflag:$0x3] =	sbarrier.arrive $0xFFFF;
	s2 =	simm.s32 @!p0 $0x1C02  }
0x17e: {  	[timem:s3], [sflag:s2] =	dma.local @!p0 [hbm:s0], s1  }
0x17f: {  	s0 =	simm.s32 @!p0 $0x2  }
0x180: {  	_ =	swait.ge @!p0 [sflag:s0], s1  }
0x181: {  	s1 =	ssub.s32 @!p0 $0x0, s1;
	[sflag:s0] =	ssyncset.done @!p0 $0x0  }
0x182: {  	[sflag:s0] =	ssyncadd.s32 @!p0 s1  }
0x183: {  	[bflag:$0x3] =	sbarrier.arrive $0xFFFF  }
0x184: {  	_ =	shalt  }

</sc_bundles>
